<compile_context>
chip_gen: v7x
topology: tpu7x:2x2x1
jax: 0.10.2.dev20260603
libtpu: 0.0.44.dev20260713+nightly
codegen_flags: <defaults>
</compile_context>

<pallas_src>
import jax
import jax.numpy as jnp
import numpy as np
from jax.experimental import pallas as pl

_DIM = 96
_TOPK = 4
_H = 57
_W = 57
_RS = 8
_NR = 8
_GP = _NR * _RS
_SCALE = _DIM ** (-0.5)


def _np_constants():
    Gh = np.zeros((_NR, _GP), np.float32)
    Gh[np.arange(_NR), np.arange(_NR) * _RS] = 1.0
    Gw = np.zeros((_NR * _TOPK, _GP), np.float32)
    for j in range(_NR):
        for t in range(_TOPK):
            Gw[j * _TOPK + t, j * _RS + t] = 1.0
    C = (np.arange(_GP)[:, None] % _RS == np.arange(_GP)[None, :] % _RS)
    return Gh, Gw, C.astype(np.float32)


def _avgpool_ceil(x, kh, kw):
    n, c, h, w = x.shape
    oh = -(-h // kh)
    ow = -(-w // kw)
    xp = jnp.pad(x, ((0, 0), (0, 0), (0, oh * kh - h), (0, ow * kw - w)))
    s = xp.reshape(n, c, oh, kh, ow, kw).sum(axis=(3, 5))
    vh = np.minimum(np.arange(oh) * kh + kh, h) - np.arange(oh) * kh
    vw = np.minimum(np.arange(ow) * kw + kw, w) - np.arange(ow) * kw
    cnt = (vh[:, None] * vw[None, :]).astype(np.float32)
    return s / jnp.asarray(cnt)[None, None, :, :]


def _prep_kernel(x_ref, y_ref, qw_ref, qb_ref, kw_ref, kb_ref,
                 ar_ref, gh_ref, gw_ref,
                 a3t_ref, idx_ref, f_ref):
    x = x_ref[0]
    y = y_ref[0]
    qw = qw_ref[...]
    kw = kw_ref[...]
    qb = qb_ref[...]
    kb = kb_ref[...]
    ar = ar_ref[0]
    mrow = jax.lax.broadcasted_iota(jnp.int32, (_GP, _GP), 0) < _H
    mcol = jax.lax.broadcasted_iota(jnp.int32, (_GP, _GP), 1) < _W
    mask = (mrow & mcol).astype(jnp.float32)[None]
    dn = (((1,), (0,)), ((), ()))
    q = jax.lax.dot_general(qw, x, dn, preferred_element_type=jnp.float32)
    qp = (q + qb[0][:, None, None]) * mask
    k = jax.lax.dot_general(kw, y, dn, preferred_element_type=jnp.float32)
    kp = (k + kb[0][:, None, None]) * mask
    iv = jax.lax.broadcasted_iota(jnp.int32, (_GP, _GP), 1)
    cur = ar
    neg = jnp.float32(-jnp.inf)
    for t in range(_TOPK):
        m = jnp.max(cur, axis=1, keepdims=True)
        cand = jnp.where(cur >= m, iv, 127)
        it = jnp.min(cand, axis=1).astype(jnp.int32)
        idx_ref[0, :, 0, t] = it
        hit = iv == it[:, None]
        cur = jnp.where(hit, neg, cur)
    for qi in range(_NR):
        a3t_ref[0, qi] = _SCALE * ar[:, qi * _RS:(qi + 1) * _RS]
    dn1 = (((1,), (1,)), ((), ()))
    Gh = gh_ref[...]
    Gw = gw_ref[...]
    u1 = jax.lax.dot_general(qp, Gh, dn1,
                             preferred_element_type=jnp.float32)
    qpix = jax.lax.dot_general(u1, Gw, dn1,
                               preferred_element_type=jnp.float32)
    F = jax.lax.dot_general(qpix, kp, (((0,), (0,)), ((), ())),
                            preferred_element_type=jnp.float32)
    f_ref[0] = _SCALE * F


def _out_kernel(a3t_ref, idx_ref, f_ref, c_ref, o_ref):
    Arow = a3t_ref[0, 0]
    ones = jnp.ones((1, _GP), jnp.float32)
    C = c_ref[...]
    R = (8 * (jax.lax.broadcasted_iota(jnp.int32, (_GP, _GP), 0) // _RS)
         + jax.lax.broadcasted_iota(jnp.int32, (_GP, _GP), 1) // _RS)
    n = 8 * pl.program_id(1) + pl.program_id(2)
    r3 = idx_ref[0, n, 0, 3]
    ri3 = r3 // 8
    rj3 = r3 % 8
    col = jax.lax.broadcasted_iota(jnp.int32, (1, _GP), 1) // _RS
    Th = C * (col == ri3).astype(jnp.float32)
    Tw = C * (col == rj3).astype(jnp.float32)
    slab0 = None
    for pi in range(_NR):
        colv = Arow[:, pi:pi + 1]
        slab = jax.lax.dot_general(colv, ones, (((1,), (0,)), ((), ())),
                                   preferred_element_type=jnp.float32)
        if pi == 0:
            slab0 = slab
        o_ref[0, pi] = jnp.broadcast_to(slab[None, :_H, :_W], (_RS, _H, _W))
    for t in range(_TOPK):
        rt = idx_ref[0, n, 0, t]
        Ft = f_ref[0, 0, t]
        v1 = jax.lax.dot_general(Th, Ft, (((1,), (0,)), ((), ())),
                                 preferred_element_type=jnp.float32)
        V = jax.lax.dot_general(v1, Tw, (((1,), (1,)), ((), ())),
                                preferred_element_type=jnp.float32)
        slab = jnp.where(R == rt, V, slab0)
        o_ref[0, 0, t] = slab[:_H, :_W]


@jax.jit
def kernel(x, y, q_weight, q_bias, k_weight, k_bias):
    B = x.shape[0]
    Gh, Gw, C = (jnp.asarray(a) for a in _np_constants())
    qw = q_weight[:, :, 0, 0]
    kw = k_weight[:, :, 0, 0]
    qb = q_bias[None, :]
    kb = k_bias[None, :]

    q = jnp.einsum('oc,nchw->nohw', qw, x) + q_bias[None, :, None, None]
    k = jnp.einsum('oc,nchw->nohw', kw, y) + k_bias[None, :, None, None]
    q_r = _avgpool_ceil(jax.lax.stop_gradient(q), _RS, _RS)
    k_r = _avgpool_ceil(jax.lax.stop_gradient(k), _RS, _RS)
    nb, c, h, w = q_r.shape
    q_rf = q_r.transpose(0, 2, 3, 1).reshape(B, h * w, c)
    k_rf = k_r.reshape(B, c, h * w)
    a_r = jnp.einsum('bnc,bck->bnk', q_rf, k_rf)

    xp = jnp.pad(x, ((0, 0), (0, 0), (0, _GP - _H), (0, _GP - _W)))
    yp = jnp.pad(y, ((0, 0), (0, 0), (0, _GP - _H), (0, _GP - _W)))

    a3t, idx4, F = pl.pallas_call(
        _prep_kernel,
        grid=(B,),
        in_specs=[
            pl.BlockSpec((1, _DIM, _GP, _GP), lambda b: (b, 0, 0, 0)),
            pl.BlockSpec((1, _DIM, _GP, _GP), lambda b: (b, 0, 0, 0)),
            pl.BlockSpec((_DIM, _DIM), lambda b: (0, 0)),
            pl.BlockSpec((1, _DIM), lambda b: (0, 0)),
            pl.BlockSpec((_DIM, _DIM), lambda b: (0, 0)),
            pl.BlockSpec((1, _DIM), lambda b: (0, 0)),
            pl.BlockSpec((1, _GP, _GP), lambda b: (b, 0, 0)),
            pl.BlockSpec((_NR, _GP), lambda b: (0, 0)),
            pl.BlockSpec((_NR * _TOPK, _GP), lambda b: (0, 0)),
        ],
        out_specs=[
            pl.BlockSpec((1, _NR, _GP, _NR), lambda b: (b, 0, 0, 0)),
            pl.BlockSpec((1, _GP, 1, _TOPK), lambda b: (b, 0, 0, 0)),
            pl.BlockSpec((1, _NR, _NR * _TOPK, _GP, _GP),
                         lambda b: (b, 0, 0, 0, 0)),
        ],
        out_shape=[
            jax.ShapeDtypeStruct((B, _NR, _GP, _NR), jnp.float32),
            jax.ShapeDtypeStruct((B, _GP, 1, _TOPK), jnp.int32),
            jax.ShapeDtypeStruct((B, _NR, _NR * _TOPK, _GP, _GP), jnp.float32),
        ],
    )(xp, yp, qw, qb, kw, kb, a_r, Gh, Gw)

    out = pl.pallas_call(
        _out_kernel,
        grid=(B, _NR, _NR),
        in_specs=[
            pl.BlockSpec((1, 1, _GP, _NR), lambda b, i, j: (b, i, 0, 0)),
            pl.BlockSpec((1, _GP, 1, _TOPK), lambda b, i, j: (b, 0, 0, 0)),
            pl.BlockSpec((1, 1, _TOPK, _GP, _GP),
                         lambda b, i, j: (b, i, j, 0, 0)),
            pl.BlockSpec((_GP, _GP), lambda b, i, j: (0, 0)),
        ],
        out_specs=pl.BlockSpec((1, _RS, _RS, _H, _W),
                               lambda b, i, j: (b, i, j, 0, 0)),
        out_shape=jax.ShapeDtypeStruct((B, _H, _W, _H, _W), jnp.float32),
    )(a3t, idx4, F, C)

    return out[:, :, :, None, :, :]

# --- scband reference (transcript-rebuilt; emitter-appended) ---
"""Pipeline reference for scband-nchw-bra-76845554860108 (READ-ONLY COPY).

The authoritative reference and input builder live on the scoring server;
editing this copy changes nothing except your own understanding.
"""

import jax, jax.numpy as jnp
import numpy as np

DIM = 96
NHEAD = 1
NWIN = 7
TOPK = 4
B = 2
H = 57
W = 57
SCALE = DIM ** (-0.5)

def setup_inputs(seed: int = 0):
    key = jax.random.key(seed)
    ks = jax.random.split(key, 6)
    x = jax.random.normal(ks[0], (B, DIM, H, W), dtype=jnp.float32)
    y = jax.random.normal(ks[1], (B, DIM, H, W), dtype=jnp.float32)
    q_weight = jax.random.normal(ks[2], (DIM, DIM, 1, 1), dtype=jnp.float32) / np.sqrt(DIM)
    q_bias = jax.random.normal(ks[3], (DIM,), dtype=jnp.float32) * 0.01
    k_weight = jax.random.normal(ks[4], (DIM, DIM, 1, 1), dtype=jnp.float32) / np.sqrt(DIM)
    k_bias = jax.random.normal(ks[5], (DIM,), dtype=jnp.float32) * 0.01
    return {"x": x, "y": y, "q_weight": q_weight, "q_bias": q_bias, "k_weight": k_weight, "k_bias": k_bias}

def _conv1x1(x, w, b):
    return jnp.einsum('oc,nchw->nohw', w[:, :, 0, 0], x) + b[None, :, None, None]

def _avg_pool_ceil(x, kh, kw):
    n, c, h, w = x.shape
    oh = -(-h // kh)
    ow = -(-w // kw)
    xp = jnp.pad(x, ((0, 0), (0, 0), (0, oh * kh - h), (0, ow * kw - w)))
    s = xp.reshape(n, c, oh, kh, ow, kw).sum(axis=(3, 5))
    vh = np.minimum(np.arange(oh) * kh + kh, h) - np.arange(oh) * kh
    vw = np.minimum(np.arange(ow) * kw + kw, w) - np.arange(ow) * kw
    cnt = (vh[:, None] * vw[None, :]).astype(np.float32)
    return s / jnp.asarray(cnt)[None, None, :, :]

def _grid2seq(x, rs, nhead):
    b, c, h, w = x.shape
    rh, rw = h // rs[0], w // rs[1]
    x = x.reshape(b, nhead, c // nhead, rh, rs[0], rw, rs[1])
    x = x.transpose(0, 1, 3, 5, 4, 6, 2).reshape(b, nhead, rh * rw, rs[0] * rs[1], c // nhead)
    return x, rh, rw

def _corr2grid(x, rh, rw, rs):
    b, m = x.shape[0], x.shape[1]
    x = x.reshape(b, m, rh, rw, rs[0], rs[1], rh, rw, rs[0], rs[1])
    x = x.transpose(0, 1, 2, 4, 3, 5, 6, 8, 7, 9)
    hh = rh * rs[0]
    ww = rw * rs[1]
    return x.reshape(b, m, hh, ww, hh, ww)

def _forward(x, y, qw, qb, kw_, kb):
    N, C, Hx, Wx = x.shape
    rs = (Hx // NWIN, Wx // NWIN)
    q = _conv1x1(x, qw, qb)
    k = _conv1x1(y, kw_, kb)
    q_r = _avg_pool_ceil(jax.lax.stop_gradient(q), rs[0], rs[1])
    k_r = _avg_pool_ceil(jax.lax.stop_gradient(k), rs[0], rs[1])
    n, c, h, w = q_r.shape
    q_rf = q_r.transpose(0, 2, 3, 1).reshape(N, h * w, c)
    k_rf = k_r.reshape(N, c, h * w)
    a_r = jnp.einsum('bnc,bck->bnk', q_rf, k_rf)
    idx = jax.lax.top_k(a_r, TOPK)[1]
    idx_r = jnp.broadcast_to(idx[:, None], (N, NHEAD, h * w, TOPK))
    a_r = SCALE * a_r
    a1 = a_r.reshape(N, h * w, h, w)
    a1 = jnp.repeat(jnp.repeat(a1, rs[0], axis=2), rs[1], axis=3)
    a1 = a1.transpose(0, 2, 3, 1)
    a2 = a1.reshape(N, -1, h, w)
    a2 = jnp.repeat(jnp.repeat(a2, rs[0], axis=2), rs[1], axis=3)
    hh, ww = a2.shape[2], a2.shape[3]
    nreg = h * w
    per = (hh * ww) // nreg
    a_r6 = a2.reshape(N, NHEAD, nreg, -1, nreg, per)
    q_pad_b = (rs[0] - Hx % rs[0]) % rs[0]
    q_pad_r = (rs[1] - Wx % rs[1]) % rs[1]
    qp = jnp.pad(q, ((0, 0), (0, 0), (0, q_pad_b), (0, q_pad_r)))
    kp = jnp.pad(k, ((0, 0), (0, 0), (0, q_pad_b), (0, q_pad_r)))
    q_seq, rh, rw = _grid2seq(qp, rs, NHEAD)
    k_seq, _, _ = _grid2seq(kp, rs, NHEAD)
    kv_rs2 = k_seq.shape[3]
    hd = k_seq.shape[4]
    key_g = jax.vmap(jax.vmap(lambda ks, ig: ks[ig]))(k_seq, idx_r)
    key_g_flat = key_g.reshape(N, NHEAD, nreg, TOPK * kv_rs2, hd)
    attn = jnp.einsum('bmnqd,bmnkd->bmnqk', q_seq * SCALE, key_g_flat)
    attn_mat = attn.reshape(N, NHEAD, nreg, -1, TOPK, per)
    bI = jnp.arange(N)[:, None, None, None, None]
    mI = jnp.arange(NHEAD)[None, :, None, None, None]
    nI = jnp.arange(nreg)[None, None, :, None, None]
    tI = jnp.arange(TOPK)[None, None, None, :, None]
    sI = jnp.arange(per)[None, None, None, None, :]
    vI = idx_r[:, :, :, :, None]
    corr = a_r6
    for t1 in range(TOPK):
        corr = corr.at[bI, mI, nI, tI, vI, sI].set(attn_mat[:, :, :, :TOPK, t1, :])
    corr = _corr2grid(corr, rh, rw, rs)
    if q_pad_b > 0 or q_pad_r > 0:
        corr = corr[:, :, :corr.shape[2] - q_pad_b, :corr.shape[3] - q_pad_r, :corr.shape[4] - q_pad_b, :corr.shape[5] - q_pad_r]
    return corr.transpose(0, 2, 3, 1, 4, 5)

def reference(x, y, q_weight, q_bias, k_weight, k_bias):
    return _forward(x, y, q_weight, q_bias, k_weight, k_bias)

if __name__ == "__main__":
    import jax
    _d = setup_inputs()
    print(jax.jit(kernel)(*tuple(_d.values())))

</pallas_src>

<mosaic_0001>
module attributes {stable_mosaic.version = 14 : i64} {
  func.func @_prep_kernel(%arg0: i32, %arg1: memref<1x96x64x64xf32, #tpu.memory_space<vmem>>, %arg2: memref<1x96x64x64xf32, #tpu.memory_space<vmem>>, %arg3: memref<96x96xf32, #tpu.memory_space<vmem>>, %arg4: memref<1x96xf32, #tpu.memory_space<vmem>>, %arg5: memref<96x96xf32, #tpu.memory_space<vmem>>, %arg6: memref<1x96xf32, #tpu.memory_space<vmem>>, %arg7: memref<1x64x64xf32, #tpu.memory_space<vmem>>, %arg8: memref<8x64xf32, #tpu.memory_space<vmem>>, %arg9: memref<32x64xf32, #tpu.memory_space<vmem>>, %arg10: memref<1x8x64x8xf32, #tpu.memory_space<vmem>>, %arg11: memref<1x64x1x4xi32, #tpu.memory_space<vmem>>, %arg12: memref<1x8x32x64x64xf32, #tpu.memory_space<vmem>>) attributes {dimension_semantics = [#tpu.dimension_semantics<arbitrary>], iteration_bounds = array<i64: 2>, scalar_prefetch = 0 : i64, scratch_operands = 0 : i64, tpu.core_type = #tpu.core_type<tc>, window_params = [{transform_indices = @transform_0, window_bounds = array<i64: 1, 96, 64, 64>}, {transform_indices = @transform_1, window_bounds = array<i64: 1, 96, 64, 64>}, {pipeline_mode = #tpu.pipeline_mode<synchronous>, transform_indices = @transform_2, window_bounds = array<i64: 96, 96>}, {pipeline_mode = #tpu.pipeline_mode<synchronous>, transform_indices = @transform_3, window_bounds = array<i64: 1, 96>}, {pipeline_mode = #tpu.pipeline_mode<synchronous>, transform_indices = @transform_4, window_bounds = array<i64: 96, 96>}, {pipeline_mode = #tpu.pipeline_mode<synchronous>, transform_indices = @transform_5, window_bounds = array<i64: 1, 96>}, {transform_indices = @transform_6, window_bounds = array<i64: 1, 64, 64>}, {pipeline_mode = #tpu.pipeline_mode<synchronous>, transform_indices = @transform_7, window_bounds = array<i64: 8, 64>}, {pipeline_mode = #tpu.pipeline_mode<synchronous>, transform_indices = @transform_8, window_bounds = array<i64: 32, 64>}, {transform_indices = @transform_9, window_bounds = array<i64: 1, 8, 64, 8>}, {transform_indices = @transform_10, window_bounds = array<i64: 1, 64, 1, 4>}, {transform_indices = @transform_11, window_bounds = array<i64: 1, 8, 32, 64, 64>}]} {
    %get3A = arith.constant 0 : index
    %get3A_0 = arith.constant 0 : index
    %get3A_1 = arith.constant 0 : index
    %get3A_2 = arith.constant 0 : index
    %get3A_3 = vector.load %arg1[%get3A, %get3A_0, %get3A_1, %get3A_2] : memref<1x96x64x64xf32, #tpu.memory_space<vmem>>, vector<1x96x64x64xf32>
    %get3A_4 = vector.shape_cast %get3A_3 : vector<1x96x64x64xf32> to vector<96x64x64xf32>
    %get3A_5 = arith.constant 0 : index
    %get3A_6 = arith.constant 0 : index
    %get3A_7 = arith.constant 0 : index
    %get3A_8 = arith.constant 0 : index
    %get3A_9 = vector.load %arg2[%get3A_5, %get3A_6, %get3A_7, %get3A_8] : memref<1x96x64x64xf32, #tpu.memory_space<vmem>>, vector<1x96x64x64xf32>
    %get3A_10 = vector.shape_cast %get3A_9 : vector<1x96x64x64xf32> to vector<96x64x64xf32>
    %get3A_11 = arith.constant 0 : index
    %get3A_12 = arith.constant 0 : index
    %get3A_13 = vector.load %arg3[%get3A_11, %get3A_12] : memref<96x96xf32, #tpu.memory_space<vmem>>, vector<96x96xf32>
    %get3A_14 = arith.constant 0 : index
    %get3A_15 = arith.constant 0 : index
    %get3A_16 = vector.load %arg5[%get3A_14, %get3A_15] : memref<96x96xf32, #tpu.memory_space<vmem>>, vector<96x96xf32>
    %get3A_17 = arith.constant 0 : index
    %get3A_18 = arith.constant 0 : index
    %get3A_19 = vector.load %arg4[%get3A_17, %get3A_18] : memref<1x96xf32, #tpu.memory_space<vmem>>, vector<1x96xf32>
    %get3A_20 = arith.constant 0 : index
    %get3A_21 = arith.constant 0 : index
    %get3A_22 = vector.load %arg6[%get3A_20, %get3A_21] : memref<1x96xf32, #tpu.memory_space<vmem>>, vector<1x96xf32>
    %get3A_23 = arith.constant 0 : index
    %get3A_24 = arith.constant 0 : index
    %get3A_25 = arith.constant 0 : index
    %get3A_26 = vector.load %arg7[%get3A_23, %get3A_24, %get3A_25] : memref<1x64x64xf32, #tpu.memory_space<vmem>>, vector<1x64x64xf32>
    %get3A_27 = vector.shape_cast %get3A_26 : vector<1x64x64xf32> to vector<64x64xf32>
    %iota3A = tpu.iota {dimensions = array<i32: 0>} : vector<64x64xi32>
    %lt3A = arith.constant 57 : i32
    %lt3A_28 = vector.broadcast %lt3A : i32 to vector<64x64xi32>
    %lt3A_29 = arith.cmpi slt, %iota3A, %lt3A_28 : vector<64x64xi32>
    %iota3A_30 = tpu.iota {dimensions = array<i32: 1>} : vector<64x64xi32>
    %lt3A_31 = arith.constant 57 : i32
    %lt3A_32 = vector.broadcast %lt3A_31 : i32 to vector<64x64xi32>
    %lt3A_33 = arith.cmpi slt, %iota3A_30, %lt3A_32 : vector<64x64xi32>
    %and3A = arith.andi %lt3A_29, %lt3A_33 : vector<64x64xi1>
    %convert_element_type3A = arith.extui %and3A : vector<64x64xi1> to vector<64x64xi32>
    %convert_element_type3A_34 = arith.sitofp %convert_element_type3A : vector<64x64xi32> to vector<64x64xf32>
    %broadcast_in_dim3A = vector.shape_cast %convert_element_type3A_34 : vector<64x64xf32> to vector<1x64x64xf32>
    %dot_general3A = arith.constant dense<0.000000e+00> : vector<96x64x64xf32>
    %dot_general3A_35 = tpu.matmul %get3A_13, %get3A_4, %dot_general3A {dimension_numbers = #tpu.dot_dimension_numbers<[1], [0], [0], [1, 2], [0, 0, 1, 1, 1, 2], [], []>, transpose_lhs_hint = false} : vector<96x96xf32>, vector<96x64x64xf32>, vector<96x64x64xf32> -> vector<96x64x64xf32>
    %squeeze3A = vector.shape_cast %get3A_19 : vector<1x96xf32> to vector<96xf32>
    %broadcast_in_dim3A_36 = vector.shape_cast %squeeze3A : vector<96xf32> to vector<96x1x1xf32>
    %add3A = vector.broadcast %broadcast_in_dim3A_36 : vector<96x1x1xf32> to vector<96x64x64xf32>
    %add3A_37 = arith.addf %dot_general3A_35, %add3A : vector<96x64x64xf32>
    %mul3A = vector.broadcast %broadcast_in_dim3A : vector<1x64x64xf32> to vector<96x64x64xf32>
    %mul3A_38 = arith.mulf %add3A_37, %mul3A : vector<96x64x64xf32>
    %dot_general3A_39 = arith.constant dense<0.000000e+00> : vector<96x64x64xf32>
    %dot_general3A_40 = tpu.matmul %get3A_16, %get3A_10, %dot_general3A_39 {dimension_numbers = #tpu.dot_dimension_numbers<[1], [0], [0], [1, 2], [0, 0, 1, 1, 1, 2], [], []>, transpose_lhs_hint = false} : vector<96x96xf32>, vector<96x64x64xf32>, vector<96x64x64xf32> -> vector<96x64x64xf32>
    %squeeze3A_41 = vector.shape_cast %get3A_22 : vector<1x96xf32> to vector<96xf32>
    %broadcast_in_dim3A_42 = vector.shape_cast %squeeze3A_41 : vector<96xf32> to vector<96x1x1xf32>
    %add3A_43 = vector.broadcast %broadcast_in_dim3A_42 : vector<96x1x1xf32> to vector<96x64x64xf32>
    %add3A_44 = arith.addf %dot_general3A_40, %add3A_43 : vector<96x64x64xf32>
    %mul3A_45 = vector.broadcast %broadcast_in_dim3A : vector<1x64x64xf32> to vector<96x64x64xf32>
    %mul3A_46 = arith.mulf %add3A_44, %mul3A_45 : vector<96x64x64xf32>
    %iota3A_47 = tpu.iota {dimensions = array<i32: 1>} : vector<64x64xi32>
    %reduce_max3A = arith.constant dense<0xFF800000> : vector<64xf32>
    %reduce_max3A_48 = vector.multi_reduction <maximumf>, %get3A_27, %reduce_max3A [1] : vector<64x64xf32> to vector<64xf32>
    %broadcast_in_dim3A_49 = vector.shape_cast %reduce_max3A_48 : vector<64xf32> to vector<64x1xf32>
    %ge3A = vector.broadcast %broadcast_in_dim3A_49 : vector<64x1xf32> to vector<64x64xf32>
    %ge3A_50 = arith.cmpf oge, %get3A_27, %ge3A : vector<64x64xf32>
    %jit3A = arith.constant 127 : i32
    %broadcast_in_dim3A_51 = vector.broadcast %jit3A : i32 to vector<64x64xi32>
    %select_n3A = arith.select %ge3A_50, %iota3A_47, %broadcast_in_dim3A_51 : vector<64x64xi1>, vector<64x64xi32>
    %reduce_min3A = arith.constant dense<2147483647> : vector<64xi32>
    %reduce_min3A_52 = vector.multi_reduction <minsi>, %select_n3A, %reduce_min3A [1] : vector<64x64xi32> to vector<64xi32>
    %swap3A = arith.constant 0 : index
    %swap3A_53 = arith.constant 0 : index
    %swap3A_54 = arith.constant 0 : index
    %swap3A_55 = arith.constant 0 : index
    %swap3A_56 = vector.load %arg11[%swap3A, %swap3A_53, %swap3A_54, %swap3A_55] : memref<1x64x1x4xi32, #tpu.memory_space<vmem>>, vector<1x64x1x1xi32>
    %swap3A_57 = vector.shape_cast %swap3A_56 : vector<1x64x1x1xi32> to vector<64xi32>
    %swap3A_58 = vector.shape_cast %reduce_min3A_52 : vector<64xi32> to vector<1x64x1x1xi32>
    tpu.vector_store %arg11[%swap3A, %swap3A_53, %swap3A_54, %swap3A_55], %swap3A_58 {strides = array<i32>} : memref<1x64x1x4xi32, #tpu.memory_space<vmem>>, vector<1x64x1x1xi32>,
    %broadcast_in_dim3A_59 = vector.shape_cast %reduce_min3A_52 : vector<64xi32> to vector<64x1xi32>
    %eq3A = vector.broadcast %broadcast_in_dim3A_59 : vector<64x1xi32> to vector<64x64xi32>
    %eq3A_60 = arith.cmpi eq, %iota3A_47, %eq3A : vector<64x64xi32>
    %jit3A_61 = arith.constant 0xFF800000 : f32
    %broadcast_in_dim3A_62 = vector.broadcast %jit3A_61 : f32 to vector<64x64xf32>
    %select_n3A_63 = arith.select %eq3A_60, %broadcast_in_dim3A_62, %get3A_27 : vector<64x64xi1>, vector<64x64xf32>
    %reduce_max3A_64 = arith.constant dense<0xFF800000> : vector<64xf32>
    %reduce_max3A_65 = vector.multi_reduction <maximumf>, %select_n3A_63, %reduce_max3A_64 [1] : vector<64x64xf32> to vector<64xf32>
    %broadcast_in_dim3A_66 = vector.shape_cast %reduce_max3A_65 : vector<64xf32> to vector<64x1xf32>
    %ge3A_67 = vector.broadcast %broadcast_in_dim3A_66 : vector<64x1xf32> to vector<64x64xf32>
    %ge3A_68 = arith.cmpf oge, %select_n3A_63, %ge3A_67 : vector<64x64xf32>
    %jit3A_69 = arith.constant 127 : i32
    %broadcast_in_dim3A_70 = vector.broadcast %jit3A_69 : i32 to vector<64x64xi32>
    %select_n3A_71 = arith.select %ge3A_68, %iota3A_47, %broadcast_in_dim3A_70 : vector<64x64xi1>, vector<64x64xi32>
    %reduce_min3A_72 = arith.constant dense<2147483647> : vector<64xi32>
    %reduce_min3A_73 = vector.multi_reduction <minsi>, %select_n3A_71, %reduce_min3A_72 [1] : vector<64x64xi32> to vector<64xi32>
    %swap3A_74 = arith.constant 0 : index
    %swap3A_75 = arith.constant 0 : index
    %swap3A_76 = arith.constant 0 : index
    %swap3A_77 = arith.constant 1 : index
    %swap3A_78 = vector.load %arg11[%swap3A_74, %swap3A_75, %swap3A_76, %swap3A_77] : memref<1x64x1x4xi32, #tpu.memory_space<vmem>>, vector<1x64x1x1xi32>
    %swap3A_79 = vector.shape_cast %swap3A_78 : vector<1x64x1x1xi32> to vector<64xi32>
    %swap3A_80 = vector.shape_cast %reduce_min3A_73 : vector<64xi32> to vector<1x64x1x1xi32>
    tpu.vector_store %arg11[%swap3A_74, %swap3A_75, %swap3A_76, %swap3A_77], %swap3A_80 {strides = array<i32>} : memref<1x64x1x4xi32, #tpu.memory_space<vmem>>, vector<1x64x1x1xi32>,
    %broadcast_in_dim3A_81 = vector.shape_cast %reduce_min3A_73 : vector<64xi32> to vector<64x1xi32>
    %eq3A_82 = vector.broadcast %broadcast_in_dim3A_81 : vector<64x1xi32> to vector<64x64xi32>
    %eq3A_83 = arith.cmpi eq, %iota3A_47, %eq3A_82 : vector<64x64xi32>
    %jit3A_84 = arith.constant 0xFF800000 : f32
    %broadcast_in_dim3A_85 = vector.broadcast %jit3A_84 : f32 to vector<64x64xf32>
    %select_n3A_86 = arith.select %eq3A_83, %broadcast_in_dim3A_85, %select_n3A_63 : vector<64x64xi1>, vector<64x64xf32>
    %reduce_max3A_87 = arith.constant dense<0xFF800000> : vector<64xf32>
    %reduce_max3A_88 = vector.multi_reduction <maximumf>, %select_n3A_86, %reduce_max3A_87 [1] : vector<64x64xf32> to vector<64xf32>
    %broadcast_in_dim3A_89 = vector.shape_cast %reduce_max3A_88 : vector<64xf32> to vector<64x1xf32>
    %ge3A_90 = vector.broadcast %broadcast_in_dim3A_89 : vector<64x1xf32> to vector<64x64xf32>
    %ge3A_91 = arith.cmpf oge, %select_n3A_86, %ge3A_90 : vector<64x64xf32>
    %jit3A_92 = arith.constant 127 : i32
    %broadcast_in_dim3A_93 = vector.broadcast %jit3A_92 : i32 to vector<64x64xi32>
    %select_n3A_94 = arith.select %ge3A_91, %iota3A_47, %broadcast_in_dim3A_93 : vector<64x64xi1>, vector<64x64xi32>
    %reduce_min3A_95 = arith.constant dense<2147483647> : vector<64xi32>
    %reduce_min3A_96 = vector.multi_reduction <minsi>, %select_n3A_94, %reduce_min3A_95 [1] : vector<64x64xi32> to vector<64xi32>
    %swap3A_97 = arith.constant 0 : index
    %swap3A_98 = arith.constant 0 : index
    %swap3A_99 = arith.constant 0 : index
    %swap3A_100 = arith.constant 2 : index
    %swap3A_101 = vector.load %arg11[%swap3A_97, %swap3A_98, %swap3A_99, %swap3A_100] : memref<1x64x1x4xi32, #tpu.memory_space<vmem>>, vector<1x64x1x1xi32>
    %swap3A_102 = vector.shape_cast %swap3A_101 : vector<1x64x1x1xi32> to vector<64xi32>
    %swap3A_103 = vector.shape_cast %reduce_min3A_96 : vector<64xi32> to vector<1x64x1x1xi32>
    tpu.vector_store %arg11[%swap3A_97, %swap3A_98, %swap3A_99, %swap3A_100], %swap3A_103 {strides = array<i32>} : memref<1x64x1x4xi32, #tpu.memory_space<vmem>>, vector<1x64x1x1xi32>,
    %broadcast_in_dim3A_104 = vector.shape_cast %reduce_min3A_96 : vector<64xi32> to vector<64x1xi32>
    %eq3A_105 = vector.broadcast %broadcast_in_dim3A_104 : vector<64x1xi32> to vector<64x64xi32>
    %eq3A_106 = arith.cmpi eq, %iota3A_47, %eq3A_105 : vector<64x64xi32>
    %jit3A_107 = arith.constant 0xFF800000 : f32
    %broadcast_in_dim3A_108 = vector.broadcast %jit3A_107 : f32 to vector<64x64xf32>
    %select_n3A_109 = arith.select %eq3A_106, %broadcast_in_dim3A_108, %select_n3A_86 : vector<64x64xi1>, vector<64x64xf32>
    %reduce_max3A_110 = arith.constant dense<0xFF800000> : vector<64xf32>
    %reduce_max3A_111 = vector.multi_reduction <maximumf>, %select_n3A_109, %reduce_max3A_110 [1] : vector<64x64xf32> to vector<64xf32>
    %broadcast_in_dim3A_112 = vector.shape_cast %reduce_max3A_111 : vector<64xf32> to vector<64x1xf32>
    %ge3A_113 = vector.broadcast %broadcast_in_dim3A_112 : vector<64x1xf32> to vector<64x64xf32>
    %ge3A_114 = arith.cmpf oge, %select_n3A_109, %ge3A_113 : vector<64x64xf32>
    %jit3A_115 = arith.constant 127 : i32
    %broadcast_in_dim3A_116 = vector.broadcast %jit3A_115 : i32 to vector<64x64xi32>
    %select_n3A_117 = arith.select %ge3A_114, %iota3A_47, %broadcast_in_dim3A_116 : vector<64x64xi1>, vector<64x64xi32>
    %reduce_min3A_118 = arith.constant dense<2147483647> : vector<64xi32>
    %reduce_min3A_119 = vector.multi_reduction <minsi>, %select_n3A_117, %reduce_min3A_118 [1] : vector<64x64xi32> to vector<64xi32>
    %swap3A_120 = arith.constant 0 : index
    %swap3A_121 = arith.constant 0 : index
    %swap3A_122 = arith.constant 0 : index
    %swap3A_123 = arith.constant 3 : index
    %swap3A_124 = vector.load %arg11[%swap3A_120, %swap3A_121, %swap3A_122, %swap3A_123] : memref<1x64x1x4xi32, #tpu.memory_space<vmem>>, vector<1x64x1x1xi32>
    %swap3A_125 = vector.shape_cast %swap3A_124 : vector<1x64x1x1xi32> to vector<64xi32>
    %swap3A_126 = vector.shape_cast %reduce_min3A_119 : vector<64xi32> to vector<1x64x1x1xi32>
    tpu.vector_store %arg11[%swap3A_120, %swap3A_121, %swap3A_122, %swap3A_123], %swap3A_126 {strides = array<i32>} : memref<1x64x1x4xi32, #tpu.memory_space<vmem>>, vector<1x64x1x1xi32>,
    %slice3A = vector.extract_strided_slice %get3A_27 {offsets = [0, 0], sizes = [64, 8], strides = [1, 1]} : vector<64x64xf32> to vector<64x8xf32>
    %mul3A_127 = arith.constant 0.102062076 : f32
    %mul3A_128 = vector.broadcast %mul3A_127 : f32 to vector<64x8xf32>
    %mul3A_129 = arith.mulf %mul3A_128, %slice3A : vector<64x8xf32>
    %swap3A_130 = arith.constant 0 : index
    %swap3A_131 = arith.constant 0 : index
    %swap3A_132 = arith.constant 0 : index
    %swap3A_133 = arith.constant 0 : index
    %swap3A_134 = vector.load %arg10[%swap3A_130, %swap3A_131, %swap3A_132, %swap3A_133] : memref<1x8x64x8xf32, #tpu.memory_space<vmem>>, vector<1x1x64x8xf32>
    %swap3A_135 = vector.shape_cast %swap3A_134 : vector<1x1x64x8xf32> to vector<64x8xf32>
    %swap3A_136 = vector.shape_cast %mul3A_129 : vector<64x8xf32> to vector<1x1x64x8xf32>
    tpu.vector_store %arg10[%swap3A_130, %swap3A_131, %swap3A_132, %swap3A_133], %swap3A_136 {strides = array<i32>} : memref<1x8x64x8xf32, #tpu.memory_space<vmem>>, vector<1x1x64x8xf32>,
    %slice3A_137 = vector.extract_strided_slice %get3A_27 {offsets = [0, 8], sizes = [64, 8], strides = [1, 1]} : vector<64x64xf32> to vector<64x8xf32>
    %mul3A_138 = arith.constant 0.102062076 : f32
    %mul3A_139 = vector.broadcast %mul3A_138 : f32 to vector<64x8xf32>
    %mul3A_140 = arith.mulf %mul3A_139, %slice3A_137 : vector<64x8xf32>
    %swap3A_141 = arith.constant 0 : index
    %swap3A_142 = arith.constant 1 : index
    %swap3A_143 = arith.constant 0 : index
    %swap3A_144 = arith.constant 0 : index
    %swap3A_145 = vector.load %arg10[%swap3A_141, %swap3A_142, %swap3A_143, %swap3A_144] : memref<1x8x64x8xf32, #tpu.memory_space<vmem>>, vector<1x1x64x8xf32>
    %swap3A_146 = vector.shape_cast %swap3A_145 : vector<1x1x64x8xf32> to vector<64x8xf32>
    %swap3A_147 = vector.shape_cast %mul3A_140 : vector<64x8xf32> to vector<1x1x64x8xf32>
    tpu.vector_store %arg10[%swap3A_141, %swap3A_142, %swap3A_143, %swap3A_144], %swap3A_147 {strides = array<i32>} : memref<1x8x64x8xf32, #tpu.memory_space<vmem>>, vector<1x1x64x8xf32>,
    %slice3A_148 = vector.extract_strided_slice %get3A_27 {offsets = [0, 16], sizes = [64, 8], strides = [1, 1]} : vector<64x64xf32> to vector<64x8xf32>
    %mul3A_149 = arith.constant 0.102062076 : f32
    %mul3A_150 = vector.broadcast %mul3A_149 : f32 to vector<64x8xf32>
    %mul3A_151 = arith.mulf %mul3A_150, %slice3A_148 : vector<64x8xf32>
    %swap3A_152 = arith.constant 0 : index
    %swap3A_153 = arith.constant 2 : index
    %swap3A_154 = arith.constant 0 : index
    %swap3A_155 = arith.constant 0 : index
    %swap3A_156 = vector.load %arg10[%swap3A_152, %swap3A_153, %swap3A_154, %swap3A_155] : memref<1x8x64x8xf32, #tpu.memory_space<vmem>>, vector<1x1x64x8xf32>
    %swap3A_157 = vector.shape_cast %swap3A_156 : vector<1x1x64x8xf32> to vector<64x8xf32>
    %swap3A_158 = vector.shape_cast %mul3A_151 : vector<64x8xf32> to vector<1x1x64x8xf32>
    tpu.vector_store %arg10[%swap3A_152, %swap3A_153, %swap3A_154, %swap3A_155], %swap3A_158 {strides = array<i32>} : memref<1x8x64x8xf32, #tpu.memory_space<vmem>>, vector<1x1x64x8xf32>,
    %slice3A_159 = vector.extract_strided_slice %get3A_27 {offsets = [0, 24], sizes = [64, 8], strides = [1, 1]} : vector<64x64xf32> to vector<64x8xf32>
    %mul3A_160 = arith.constant 0.102062076 : f32
    %mul3A_161 = vector.broadcast %mul3A_160 : f32 to vector<64x8xf32>
    %mul3A_162 = arith.mulf %mul3A_161, %slice3A_159 : vector<64x8xf32>
    %swap3A_163 = arith.constant 0 : index
    %swap3A_164 = arith.constant 3 : index
    %swap3A_165 = arith.constant 0 : index
    %swap3A_166 = arith.constant 0 : index
    %swap3A_167 = vector.load %arg10[%swap3A_163, %swap3A_164, %swap3A_165, %swap3A_166] : memref<1x8x64x8xf32, #tpu.memory_space<vmem>>, vector<1x1x64x8xf32>
    %swap3A_168 = vector.shape_cast %swap3A_167 : vector<1x1x64x8xf32> to vector<64x8xf32>
    %swap3A_169 = vector.shape_cast %mul3A_162 : vector<64x8xf32> to vector<1x1x64x8xf32>
    tpu.vector_store %arg10[%swap3A_163, %swap3A_164, %swap3A_165, %swap3A_166], %swap3A_169 {strides = array<i32>} : memref<1x8x64x8xf32, #tpu.memory_space<vmem>>, vector<1x1x64x8xf32>,
    %slice3A_170 = vector.extract_strided_slice %get3A_27 {offsets = [0, 32], sizes = [64, 8], strides = [1, 1]} : vector<64x64xf32> to vector<64x8xf32>
    %mul3A_171 = arith.constant 0.102062076 : f32
    %mul3A_172 = vector.broadcast %mul3A_171 : f32 to vector<64x8xf32>
    %mul3A_173 = arith.mulf %mul3A_172, %slice3A_170 : vector<64x8xf32>
    %swap3A_174 = arith.constant 0 : index
    %swap3A_175 = arith.constant 4 : index
    %swap3A_176 = arith.constant 0 : index
    %swap3A_177 = arith.constant 0 : index
    %swap3A_178 = vector.load %arg10[%swap3A_174, %swap3A_175, %swap3A_176, %swap3A_177] : memref<1x8x64x8xf32, #tpu.memory_space<vmem>>, vector<1x1x64x8xf32>
    %swap3A_179 = vector.shape_cast %swap3A_178 : vector<1x1x64x8xf32> to vector<64x8xf32>
    %swap3A_180 = vector.shape_cast %mul3A_173 : vector<64x8xf32> to vector<1x1x64x8xf32>
    tpu.vector_store %arg10[%swap3A_174, %swap3A_175, %swap3A_176, %swap3A_177], %swap3A_180 {strides = array<i32>} : memref<1x8x64x8xf32, #tpu.memory_space<vmem>>, vector<1x1x64x8xf32>,
    %slice3A_181 = vector.extract_strided_slice %get3A_27 {offsets = [0, 40], sizes = [64, 8], strides = [1, 1]} : vector<64x64xf32> to vector<64x8xf32>
    %mul3A_182 = arith.constant 0.102062076 : f32
    %mul3A_183 = vector.broadcast %mul3A_182 : f32 to vector<64x8xf32>
    %mul3A_184 = arith.mulf %mul3A_183, %slice3A_181 : vector<64x8xf32>
    %swap3A_185 = arith.constant 0 : index
    %swap3A_186 = arith.constant 5 : index
    %swap3A_187 = arith.constant 0 : index
    %swap3A_188 = arith.constant 0 : index
    %swap3A_189 = vector.load %arg10[%swap3A_185, %swap3A_186, %swap3A_187, %swap3A_188] : memref<1x8x64x8xf32, #tpu.memory_space<vmem>>, vector<1x1x64x8xf32>
    %swap3A_190 = vector.shape_cast %swap3A_189 : vector<1x1x64x8xf32> to vector<64x8xf32>
    %swap3A_191 = vector.shape_cast %mul3A_184 : vector<64x8xf32> to vector<1x1x64x8xf32>
    tpu.vector_store %arg10[%swap3A_185, %swap3A_186, %swap3A_187, %swap3A_188], %swap3A_191 {strides = array<i32>} : memref<1x8x64x8xf32, #tpu.memory_space<vmem>>, vector<1x1x64x8xf32>,
    %slice3A_192 = vector.extract_strided_slice %get3A_27 {offsets = [0, 48], sizes = [64, 8], strides = [1, 1]} : vector<64x64xf32> to vector<64x8xf32>
    %mul3A_193 = arith.constant 0.102062076 : f32
    %mul3A_194 = vector.broadcast %mul3A_193 : f32 to vector<64x8xf32>
    %mul3A_195 = arith.mulf %mul3A_194, %slice3A_192 : vector<64x8xf32>
    %swap3A_196 = arith.constant 0 : index
    %swap3A_197 = arith.constant 6 : index
    %swap3A_198 = arith.constant 0 : index
    %swap3A_199 = arith.constant 0 : index
    %swap3A_200 = vector.load %arg10[%swap3A_196, %swap3A_197, %swap3A_198, %swap3A_199] : memref<1x8x64x8xf32, #tpu.memory_space<vmem>>, vector<1x1x64x8xf32>
    %swap3A_201 = vector.shape_cast %swap3A_200 : vector<1x1x64x8xf32> to vector<64x8xf32>
    %swap3A_202 = vector.shape_cast %mul3A_195 : vector<64x8xf32> to vector<1x1x64x8xf32>
    tpu.vector_store %arg10[%swap3A_196, %swap3A_197, %swap3A_198, %swap3A_199], %swap3A_202 {strides = array<i32>} : memref<1x8x64x8xf32, #tpu.memory_space<vmem>>, vector<1x1x64x8xf32>,
    %slice3A_203 = vector.extract_strided_slice %get3A_27 {offsets = [0, 56], sizes = [64, 8], strides = [1, 1]} : vector<64x64xf32> to vector<64x8xf32>
    %mul3A_204 = arith.constant 0.102062076 : f32
    %mul3A_205 = vector.broadcast %mul3A_204 : f32 to vector<64x8xf32>
    %mul3A_206 = arith.mulf %mul3A_205, %slice3A_203 : vector<64x8xf32>
    %swap3A_207 = arith.constant 0 : index
    %swap3A_208 = arith.constant 7 : index
    %swap3A_209 = arith.constant 0 : index
    %swap3A_210 = arith.constant 0 : index
    %swap3A_211 = vector.load %arg10[%swap3A_207, %swap3A_208, %swap3A_209, %swap3A_210] : memref<1x8x64x8xf32, #tpu.memory_space<vmem>>, vector<1x1x64x8xf32>
    %swap3A_212 = vector.shape_cast %swap3A_211 : vector<1x1x64x8xf32> to vector<64x8xf32>
    %swap3A_213 = vector.shape_cast %mul3A_206 : vector<64x8xf32> to vector<1x1x64x8xf32>
    tpu.vector_store %arg10[%swap3A_207, %swap3A_208, %swap3A_209, %swap3A_210], %swap3A_213 {strides = array<i32>} : memref<1x8x64x8xf32, #tpu.memory_space<vmem>>, vector<1x1x64x8xf32>,
    %get3A_214 = arith.constant 0 : index
    %get3A_215 = arith.constant 0 : index
    %get3A_216 = vector.load %arg8[%get3A_214, %get3A_215] : memref<8x64xf32, #tpu.memory_space<vmem>>, vector<8x64xf32>
    %get3A_217 = arith.constant 0 : index
    %get3A_218 = arith.constant 0 : index
    %get3A_219 = vector.load %arg9[%get3A_217, %get3A_218] : memref<32x64xf32, #tpu.memory_space<vmem>>, vector<32x64xf32>
    %dot_general3A_220 = arith.constant dense<0.000000e+00> : vector<96x64x8xf32>
    %dot_general3A_221 = tpu.matmul %mul3A_38, %get3A_216, %dot_general3A_220 {dimension_numbers = #tpu.dot_dimension_numbers<[1], [1], [0, 2], [0], [0, 0, 0, 2, 1, 0], [], []>, transpose_lhs_hint = false} : vector<96x64x64xf32>, vector<8x64xf32>, vector<96x64x8xf32> -> vector<96x64x8xf32>
    %dot_general3A_222 = arith.constant dense<0.000000e+00> : vector<96x8x32xf32>
    %dot_general3A_223 = tpu.matmul %dot_general3A_221, %get3A_219, %dot_general3A_222 {dimension_numbers = #tpu.dot_dimension_numbers<[1], [1], [0, 2], [0], [0, 0, 0, 2, 1, 0], [], []>, transpose_lhs_hint = false} : vector<96x64x8xf32>, vector<32x64xf32>, vector<96x8x32xf32> -> vector<96x8x32xf32>
    %dot_general3A_224 = arith.constant dense<0.000000e+00> : vector<8x32x64x64xf32>
    %dot_general3A_225 = tpu.matmul %dot_general3A_223, %mul3A_46, %dot_general3A_224 {dimension_numbers = #tpu.dot_dimension_numbers<[0], [0], [1, 2], [1, 2], [0, 1, 0, 2, 1, 1, 1, 2], [], []>, transpose_lhs_hint = false} : vector<96x8x32xf32>, vector<96x64x64xf32>, vector<8x32x64x64xf32> -> vector<8x32x64x64xf32>
    %mul3A_226 = arith.constant 0.102062076 : f32
    %mul3A_227 = vector.broadcast %mul3A_226 : f32 to vector<8x32x64x64xf32>
    %mul3A_228 = arith.mulf %mul3A_227, %dot_general3A_225 : vector<8x32x64x64xf32>
    %swap3A_229 = arith.constant 0 : index
    %swap3A_230 = arith.constant 0 : index
    %swap3A_231 = arith.constant 0 : index
    %swap3A_232 = arith.constant 0 : index
    %swap3A_233 = arith.constant 0 : index
    %swap3A_234 = vector.load %arg12[%swap3A_229, %swap3A_230, %swap3A_231, %swap3A_232, %swap3A_233] : memref<1x8x32x64x64xf32, #tpu.memory_space<vmem>>, vector<1x8x32x64x64xf32>
    %swap3A_235 = vector.shape_cast %swap3A_234 : vector<1x8x32x64x64xf32> to vector<8x32x64x64xf32>
    %swap3A_236 = vector.shape_cast %mul3A_228 : vector<8x32x64x64xf32> to vector<1x8x32x64x64xf32>
    tpu.vector_store %arg12[%swap3A_229, %swap3A_230, %swap3A_231, %swap3A_232, %swap3A_233], %swap3A_236 {strides = array<i32>} : memref<1x8x32x64x64xf32, #tpu.memory_space<vmem>>, vector<1x8x32x64x64xf32>,
    return
  }
  func.func @transform_0(%arg0: i32) -> (i32, i32, i32, i32) {
    %c0_i32 = arith.constant 0 : i32
    %c0_i32_0 = arith.constant 0 : i32
    %c0_i32_1 = arith.constant 0 : i32
    %c0_i32_2 = arith.constant 0 : i32
    return %arg0, %c0_i32, %c0_i32_0, %c0_i32_1 : i32, i32, i32, i32
  }
  func.func @transform_1(%arg0: i32) -> (i32, i32, i32, i32) {
    %c0_i32 = arith.constant 0 : i32
    %c0_i32_0 = arith.constant 0 : i32
    %c0_i32_1 = arith.constant 0 : i32
    %c0_i32_2 = arith.constant 0 : i32
    return %arg0, %c0_i32, %c0_i32_0, %c0_i32_1 : i32, i32, i32, i32
  }
  func.func @transform_2(%arg0: i32) -> (i32, i32) {
    %c0_i32 = arith.constant 0 : i32
    %c0_i32_0 = arith.constant 0 : i32
    %c0_i32_1 = arith.constant 0 : i32
    return %c0_i32, %c0_i32_0 : i32, i32
  }
  func.func @transform_3(%arg0: i32) -> (i32, i32) {
    %c0_i32 = arith.constant 0 : i32
    %c0_i32_0 = arith.constant 0 : i32
    %c0_i32_1 = arith.constant 0 : i32
    return %c0_i32, %c0_i32_0 : i32, i32
  }
  func.func @transform_4(%arg0: i32) -> (i32, i32) {
    %c0_i32 = arith.constant 0 : i32
    %c0_i32_0 = arith.constant 0 : i32
    %c0_i32_1 = arith.constant 0 : i32
    return %c0_i32, %c0_i32_0 : i32, i32
  }
  func.func @transform_5(%arg0: i32) -> (i32, i32) {
    %c0_i32 = arith.constant 0 : i32
    %c0_i32_0 = arith.constant 0 : i32
    %c0_i32_1 = arith.constant 0 : i32
    return %c0_i32, %c0_i32_0 : i32, i32
  }
  func.func @transform_6(%arg0: i32) -> (i32, i32, i32) {
    %c0_i32 = arith.constant 0 : i32
    %c0_i32_0 = arith.constant 0 : i32
    %c0_i32_1 = arith.constant 0 : i32
    return %arg0, %c0_i32, %c0_i32_0 : i32, i32, i32
  }
  func.func @transform_7(%arg0: i32) -> (i32, i32) {
    %c0_i32 = arith.constant 0 : i32
    %c0_i32_0 = arith.constant 0 : i32
    %c0_i32_1 = arith.constant 0 : i32
    return %c0_i32, %c0_i32_0 : i32, i32
  }
  func.func @transform_8(%arg0: i32) -> (i32, i32) {
    %c0_i32 = arith.constant 0 : i32
    %c0_i32_0 = arith.constant 0 : i32
    %c0_i32_1 = arith.constant 0 : i32
    return %c0_i32, %c0_i32_0 : i32, i32
  }
  func.func @transform_9(%arg0: i32) -> (i32, i32, i32, i32) {
    %c0_i32 = arith.constant 0 : i32
    %c0_i32_0 = arith.constant 0 : i32
    %c0_i32_1 = arith.constant 0 : i32
    %c0_i32_2 = arith.constant 0 : i32
    return %arg0, %c0_i32, %c0_i32_0, %c0_i32_1 : i32, i32, i32, i32
  }
  func.func @transform_10(%arg0: i32) -> (i32, i32, i32, i32) {
    %c0_i32 = arith.constant 0 : i32
    %c0_i32_0 = arith.constant 0 : i32
    %c0_i32_1 = arith.constant 0 : i32
    %c0_i32_2 = arith.constant 0 : i32
    return %arg0, %c0_i32, %c0_i32_0, %c0_i32_1 : i32, i32, i32, i32
  }
  func.func @transform_11(%arg0: i32) -> (i32, i32, i32, i32, i32) {
    %c0_i32 = arith.constant 0 : i32
    %c0_i32_0 = arith.constant 0 : i32
    %c0_i32_1 = arith.constant 0 : i32
    %c0_i32_2 = arith.constant 0 : i32
    %c0_i32_3 = arith.constant 0 : i32
    return %arg0, %c0_i32, %c0_i32_0, %c0_i32_1, %c0_i32_2 : i32, i32, i32, i32, i32
  }
}

module attributes {stable_mosaic.version = 14 : i64} {
  func.func @_out_kernel(%arg0: i32, %arg1: i32, %arg2: i32, %arg3: memref<1x1x64x8xf32, #tpu.memory_space<vmem>>, %arg4: memref<1x64x1x4xi32, #tpu.memory_space<vmem>>, %arg5: memref<1x1x4x64x64xf32, #tpu.memory_space<vmem>>, %arg6: memref<64x64xf32, #tpu.memory_space<vmem>>, %arg7: memref<1x8x8x57x57xf32, #tpu.memory_space<vmem>>) attributes {dimension_semantics = [#tpu.dimension_semantics<arbitrary>, #tpu.dimension_semantics<arbitrary>, #tpu.dimension_semantics<arbitrary>], iteration_bounds = array<i64: 2, 8, 8>, scalar_prefetch = 0 : i64, scratch_operands = 0 : i64, tpu.core_type = #tpu.core_type<tc>, window_params = [{transform_indices = @transform_0, window_bounds = array<i64: 1, 1, 64, 8>}, {transform_indices = @transform_1, window_bounds = array<i64: 1, 64, 1, 4>}, {transform_indices = @transform_2, window_bounds = array<i64: 1, 1, 4, 64, 64>}, {pipeline_mode = #tpu.pipeline_mode<synchronous>, transform_indices = @transform_3, window_bounds = array<i64: 64, 64>}, {transform_indices = @transform_4, window_bounds = array<i64: 1, 8, 8, 57, 57>}]} {
    %get3A = arith.constant 0 : index
    %get3A_0 = arith.constant 0 : index
    %get3A_1 = arith.constant 0 : index
    %get3A_2 = arith.constant 0 : index
    %get3A_3 = vector.load %arg3[%get3A, %get3A_0, %get3A_1, %get3A_2] : memref<1x1x64x8xf32, #tpu.memory_space<vmem>>, vector<1x1x64x8xf32>
    %get3A_4 = vector.shape_cast %get3A_3 : vector<1x1x64x8xf32> to vector<64x8xf32>
    %broadcast_in_dim3A = arith.constant 1.000000e+00 : f32
    %broadcast_in_dim3A_5 = vector.broadcast %broadcast_in_dim3A : f32 to vector<1x64xf32>
    %get3A_6 = arith.constant 0 : index
    %get3A_7 = arith.constant 0 : index
    %get3A_8 = vector.load %arg6[%get3A_6, %get3A_7] : memref<64x64xf32, #tpu.memory_space<vmem>>, vector<64x64xf32>
    %iota3A = tpu.iota {dimensions = array<i32: 0>} : vector<64x64xi32>
    %jit3A = arith.constant 8 : i32
    %div3A = vector.broadcast %jit3A : i32 to vector<64x64xi32>
    %div3A_9 = arith.divsi %iota3A, %div3A : vector<64x64xi32>
    %sign3A = arith.constant 0 : i32
    %sign3A_10 = vector.broadcast %sign3A : i32 to vector<64x64xi32>
    %sign3A_11 = arith.cmpi sgt, %iota3A, %sign3A_10 : vector<64x64xi32>
    %sign3A_12 = arith.extui %sign3A_11 : vector<64x64xi1> to vector<64x64xi32>
    %sign3A_13 = arith.constant 0 : i32
    %sign3A_14 = vector.broadcast %sign3A_13 : i32 to vector<64x64xi32>
    %sign3A_15 = arith.cmpi slt, %iota3A, %sign3A_14 : vector<64x64xi32>
    %sign3A_16 = arith.extui %sign3A_15 : vector<64x64xi1> to vector<64x64xi32>
    %sign3A_17 = arith.subi %sign3A_12, %sign3A_16 : vector<64x64xi32>
    %sign3A_18 = arith.constant 0 : i32
    %sign3A_19 = arith.cmpi sgt, %jit3A, %sign3A_18 : i32
    %sign3A_20 = arith.extui %sign3A_19 : i1 to i32
    %sign3A_21 = arith.constant 0 : i32
    %sign3A_22 = arith.cmpi slt, %jit3A, %sign3A_21 : i32
    %sign3A_23 = arith.extui %sign3A_22 : i1 to i32
    %sign3A_24 = arith.subi %sign3A_20, %sign3A_23 : i32
    %ne3A = vector.broadcast %sign3A_24 : i32 to vector<64x64xi32>
    %ne3A_25 = arith.cmpi ne, %sign3A_17, %ne3A : vector<64x64xi32>
    %rem3A = vector.broadcast %jit3A : i32 to vector<64x64xi32>
    %rem3A_26 = arith.remsi %iota3A, %rem3A : vector<64x64xi32>
    %ne3A_27 = arith.constant 0 : i32
    %ne3A_28 = vector.broadcast %ne3A_27 : i32 to vector<64x64xi32>
    %ne3A_29 = arith.cmpi ne, %rem3A_26, %ne3A_28 : vector<64x64xi32>
    %and3A = arith.andi %ne3A_25, %ne3A_29 : vector<64x64xi1>
    %sub3A = arith.constant 1 : i32
    %sub3A_30 = vector.broadcast %sub3A : i32 to vector<64x64xi32>
    %sub3A_31 = arith.subi %div3A_9, %sub3A_30 : vector<64x64xi32>
    %select_n3A = arith.select %and3A, %sub3A_31, %div3A_9 : vector<64x64xi1>, vector<64x64xi32>
    %mul3A = arith.constant 8 : i32
    %mul3A_32 = vector.broadcast %mul3A : i32 to vector<64x64xi32>
    %mul3A_33 = arith.muli %mul3A_32, %select_n3A : vector<64x64xi32>
    %iota3A_34 = tpu.iota {dimensions = array<i32: 1>} : vector<64x64xi32>
    %jit3A_35 = arith.constant 8 : i32
    %div3A_36 = vector.broadcast %jit3A_35 : i32 to vector<64x64xi32>
    %div3A_37 = arith.divsi %iota3A_34, %div3A_36 : vector<64x64xi32>
    %sign3A_38 = arith.constant 0 : i32
    %sign3A_39 = vector.broadcast %sign3A_38 : i32 to vector<64x64xi32>
    %sign3A_40 = arith.cmpi sgt, %iota3A_34, %sign3A_39 : vector<64x64xi32>
    %sign3A_41 = arith.extui %sign3A_40 : vector<64x64xi1> to vector<64x64xi32>
    %sign3A_42 = arith.constant 0 : i32
    %sign3A_43 = vector.broadcast %sign3A_42 : i32 to vector<64x64xi32>
    %sign3A_44 = arith.cmpi slt, %iota3A_34, %sign3A_43 : vector<64x64xi32>
    %sign3A_45 = arith.extui %sign3A_44 : vector<64x64xi1> to vector<64x64xi32>
    %sign3A_46 = arith.subi %sign3A_41, %sign3A_45 : vector<64x64xi32>
    %sign3A_47 = arith.constant 0 : i32
    %sign3A_48 = arith.cmpi sgt, %jit3A_35, %sign3A_47 : i32
    %sign3A_49 = arith.extui %sign3A_48 : i1 to i32
    %sign3A_50 = arith.constant 0 : i32
    %sign3A_51 = arith.cmpi slt, %jit3A_35, %sign3A_50 : i32
    %sign3A_52 = arith.extui %sign3A_51 : i1 to i32
    %sign3A_53 = arith.subi %sign3A_49, %sign3A_52 : i32
    %ne3A_54 = vector.broadcast %sign3A_53 : i32 to vector<64x64xi32>
    %ne3A_55 = arith.cmpi ne, %sign3A_46, %ne3A_54 : vector<64x64xi32>
    %rem3A_56 = vector.broadcast %jit3A_35 : i32 to vector<64x64xi32>
    %rem3A_57 = arith.remsi %iota3A_34, %rem3A_56 : vector<64x64xi32>
    %ne3A_58 = arith.constant 0 : i32
    %ne3A_59 = vector.broadcast %ne3A_58 : i32 to vector<64x64xi32>
    %ne3A_60 = arith.cmpi ne, %rem3A_57, %ne3A_59 : vector<64x64xi32>
    %and3A_61 = arith.andi %ne3A_55, %ne3A_60 : vector<64x64xi1>
    %sub3A_62 = arith.constant 1 : i32
    %sub3A_63 = vector.broadcast %sub3A_62 : i32 to vector<64x64xi32>
    %sub3A_64 = arith.subi %div3A_37, %sub3A_63 : vector<64x64xi32>
    %select_n3A_65 = arith.select %and3A_61, %sub3A_64, %div3A_37 : vector<64x64xi1>, vector<64x64xi32>
    %add3A = arith.addi %mul3A_33, %select_n3A_65 : vector<64x64xi32>
    %mul3A_66 = arith.constant 8 : i32
    %mul3A_67 = arith.muli %mul3A_66, %arg1 : i32
    %add3A_68 = arith.addi %mul3A_67, %arg2 : i32
    %get3A_69 = arith.constant 0 : index
    %get3A_70 = arith.index_cast %add3A_68 : i32 to index
    %get3A_71 = arith.constant 0 : index
    %get3A_72 = arith.constant 3 : index
    %get3A_73 = vector.load %arg4[%get3A_69, %get3A_70, %get3A_71, %get3A_72] : memref<1x64x1x4xi32, #tpu.memory_space<vmem>>, vector<1x1x1x1xi32>
    %get3A_74 = vector.extract %get3A_73[0, 0, 0, 0] : i32 from vector<1x1x1x1xi32>
    %jit3A_75 = arith.constant 8 : i32
    %div3A_76 = arith.divsi %get3A_74, %jit3A_75 : i32
    %sign3A_77 = arith.constant 0 : i32
    %sign3A_78 = arith.cmpi sgt, %get3A_74, %sign3A_77 : i32
    %sign3A_79 = arith.extui %sign3A_78 : i1 to i32
    %sign3A_80 = arith.constant 0 : i32
    %sign3A_81 = arith.cmpi slt, %get3A_74, %sign3A_80 : i32
    %sign3A_82 = arith.extui %sign3A_81 : i1 to i32
    %sign3A_83 = arith.subi %sign3A_79, %sign3A_82 : i32
    %sign3A_84 = arith.constant 0 : i32
    %sign3A_85 = arith.cmpi sgt, %jit3A_75, %sign3A_84 : i32
    %sign3A_86 = arith.extui %sign3A_85 : i1 to i32
    %sign3A_87 = arith.constant 0 : i32
    %sign3A_88 = arith.cmpi slt, %jit3A_75, %sign3A_87 : i32
    %sign3A_89 = arith.extui %sign3A_88 : i1 to i32
    %sign3A_90 = arith.subi %sign3A_86, %sign3A_89 : i32
    %ne3A_91 = arith.cmpi ne, %sign3A_83, %sign3A_90 : i32
    %rem3A_92 = arith.remsi %get3A_74, %jit3A_75 : i32
    %ne3A_93 = arith.constant 0 : i32
    %ne3A_94 = arith.cmpi ne, %rem3A_92, %ne3A_93 : i32
    %and3A_95 = arith.andi %ne3A_91, %ne3A_94 : i1
    %sub3A_96 = arith.constant 1 : i32
    %sub3A_97 = arith.subi %div3A_76, %sub3A_96 : i32
    %select_n3A_98 = arith.select %and3A_95, %sub3A_97, %div3A_76 : i32
    %jit3A_99 = arith.constant 8 : i32
    %eq3A = arith.constant 0 : i32
    %eq3A_100 = arith.cmpi eq, %jit3A_99, %eq3A : i32
    %jit3A_101 = arith.constant 1 : i32
    %select_n3A_102 = arith.select %eq3A_100, %jit3A_101, %jit3A_99 : i32
    %rem3A_103 = arith.remsi %get3A_74, %select_n3A_102 : i32
    %ne3A_104 = arith.constant 0 : i32
    %ne3A_105 = arith.cmpi ne, %rem3A_103, %ne3A_104 : i32
    %lt3A = arith.constant 0 : i32
    %lt3A_106 = arith.cmpi slt, %rem3A_103, %lt3A : i32
    %lt3A_107 = arith.constant 0 : i32
    %lt3A_108 = arith.cmpi slt, %select_n3A_102, %lt3A_107 : i32
    %ne3A_109 = arith.xori %lt3A_106, %lt3A_108 : i1
    %and3A_110 = arith.andi %ne3A_109, %ne3A_105 : i1
    %add3A_111 = arith.addi %rem3A_103, %select_n3A_102 : i32
    %select_n3A_112 = arith.select %and3A_110, %add3A_111, %rem3A_103 : i32
    %iota3A_113 = tpu.iota {dimensions = array<i32: 1>} : vector<1x64xi32>
    %jit3A_114 = arith.constant 8 : i32
    %div3A_115 = vector.broadcast %jit3A_114 : i32 to vector<1x64xi32>
    %div3A_116 = arith.divsi %iota3A_113, %div3A_115 : vector<1x64xi32>
    %sign3A_117 = arith.constant 0 : i32
    %sign3A_118 = vector.broadcast %sign3A_117 : i32 to vector<1x64xi32>
    %sign3A_119 = arith.cmpi sgt, %iota3A_113, %sign3A_118 : vector<1x64xi32>
    %sign3A_120 = arith.extui %sign3A_119 : vector<1x64xi1> to vector<1x64xi32>
    %sign3A_121 = arith.constant 0 : i32
    %sign3A_122 = vector.broadcast %sign3A_121 : i32 to vector<1x64xi32>
    %sign3A_123 = arith.cmpi slt, %iota3A_113, %sign3A_122 : vector<1x64xi32>
    %sign3A_124 = arith.extui %sign3A_123 : vector<1x64xi1> to vector<1x64xi32>
    %sign3A_125 = arith.subi %sign3A_120, %sign3A_124 : vector<1x64xi32>
    %sign3A_126 = arith.constant 0 : i32
    %sign3A_127 = arith.cmpi sgt, %jit3A_114, %sign3A_126 : i32
    %sign3A_128 = arith.extui %sign3A_127 : i1 to i32
    %sign3A_129 = arith.constant 0 : i32
    %sign3A_130 = arith.cmpi slt, %jit3A_114, %sign3A_129 : i32
    %sign3A_131 = arith.extui %sign3A_130 : i1 to i32
    %sign3A_132 = arith.subi %sign3A_128, %sign3A_131 : i32
    %ne3A_133 = vector.broadcast %sign3A_132 : i32 to vector<1x64xi32>
    %ne3A_134 = arith.cmpi ne, %sign3A_125, %ne3A_133 : vector<1x64xi32>
    %rem3A_135 = vector.broadcast %jit3A_114 : i32 to vector<1x64xi32>
    %rem3A_136 = arith.remsi %iota3A_113, %rem3A_135 : vector<1x64xi32>
    %ne3A_137 = arith.constant 0 : i32
    %ne3A_138 = vector.broadcast %ne3A_137 : i32 to vector<1x64xi32>
    %ne3A_139 = arith.cmpi ne, %rem3A_136, %ne3A_138 : vector<1x64xi32>
    %and3A_140 = arith.andi %ne3A_134, %ne3A_139 : vector<1x64xi1>
    %sub3A_141 = arith.constant 1 : i32
    %sub3A_142 = vector.broadcast %sub3A_141 : i32 to vector<1x64xi32>
    %sub3A_143 = arith.subi %div3A_116, %sub3A_142 : vector<1x64xi32>
    %select_n3A_144 = arith.select %and3A_140, %sub3A_143, %div3A_116 : vector<1x64xi1>, vector<1x64xi32>
    %eq3A_145 = vector.broadcast %select_n3A_98 : i32 to vector<1x64xi32>
    %eq3A_146 = arith.cmpi eq, %select_n3A_144, %eq3A_145 : vector<1x64xi32>
    %convert_element_type3A = arith.extui %eq3A_146 : vector<1x64xi1> to vector<1x64xi32>
    %convert_element_type3A_147 = arith.sitofp %convert_element_type3A : vector<1x64xi32> to vector<1x64xf32>
    %mul3A_148 = vector.broadcast %convert_element_type3A_147 : vector<1x64xf32> to vector<64x64xf32>
    %mul3A_149 = arith.mulf %get3A_8, %mul3A_148 : vector<64x64xf32>
    %eq3A_150 = vector.broadcast %select_n3A_112 : i32 to vector<1x64xi32>
    %eq3A_151 = arith.cmpi eq, %select_n3A_144, %eq3A_150 : vector<1x64xi32>
    %convert_element_type3A_152 = arith.extui %eq3A_151 : vector<1x64xi1> to vector<1x64xi32>
    %convert_element_type3A_153 = arith.sitofp %convert_element_type3A_152 : vector<1x64xi32> to vector<1x64xf32>
    %mul3A_154 = vector.broadcast %convert_element_type3A_153 : vector<1x64xf32> to vector<64x64xf32>
    %mul3A_155 = arith.mulf %get3A_8, %mul3A_154 : vector<64x64xf32>
    %slice3A = vector.extract_strided_slice %get3A_4 {offsets = [0, 0], sizes = [64, 1], strides = [1, 1]} : vector<64x8xf32> to vector<64x1xf32>
    %dot_general3A = arith.constant dense<0.000000e+00> : vector<64x64xf32>
    %dot_general3A_156 = tpu.matmul %slice3A, %broadcast_in_dim3A_5, %dot_general3A {dimension_numbers = #tpu.dot_dimension_numbers<[1], [0], [0], [1], [0, 0, 1, 1], [], []>, transpose_lhs_hint = false} : vector<64x1xf32>, vector<1x64xf32>, vector<64x64xf32> -> vector<64x64xf32>
    %slice3A_157 = vector.extract_strided_slice %dot_general3A_156 {offsets = [0, 0], sizes = [57, 57], strides = [1, 1]} : vector<64x64xf32> to vector<57x57xf32>
    %broadcast_in_dim3A_158 = vector.shape_cast %slice3A_157 : vector<57x57xf32> to vector<1x57x57xf32>
    %broadcast_in_dim3A_159 = vector.shape_cast %broadcast_in_dim3A_158 : vector<1x57x57xf32> to vector<1x57x57xf32>
    %broadcast_in_dim3A_160 = vector.broadcast %broadcast_in_dim3A_159 : vector<1x57x57xf32> to vector<8x57x57xf32>
    %swap3A = arith.constant 0 : index
    %swap3A_161 = arith.constant 0 : index
    %swap3A_162 = arith.constant 0 : index
    %swap3A_163 = arith.constant 0 : index
    %swap3A_164 = arith.constant 0 : index
    %swap3A_165 = vector.load %arg7[%swap3A, %swap3A_161, %swap3A_162, %swap3A_163, %swap3A_164] : memref<1x8x8x57x57xf32, #tpu.memory_space<vmem>>, vector<1x1x8x57x57xf32>
    %swap3A_166 = vector.shape_cast %swap3A_165 : vector<1x1x8x57x57xf32> to vector<8x57x57xf32>
    %swap3A_167 = vector.shape_cast %broadcast_in_dim3A_160 : vector<8x57x57xf32> to vector<1x1x8x57x57xf32>
    tpu.vector_store %arg7[%swap3A, %swap3A_161, %swap3A_162, %swap3A_163, %swap3A_164], %swap3A_167 {strides = array<i32>} : memref<1x8x8x57x57xf32, #tpu.memory_space<vmem>>, vector<1x1x8x57x57xf32>,
    %slice3A_168 = vector.extract_strided_slice %get3A_4 {offsets = [0, 1], sizes = [64, 1], strides = [1, 1]} : vector<64x8xf32> to vector<64x1xf32>
    %dot_general3A_169 = arith.constant dense<0.000000e+00> : vector<64x64xf32>
    %dot_general3A_170 = tpu.matmul %slice3A_168, %broadcast_in_dim3A_5, %dot_general3A_169 {dimension_numbers = #tpu.dot_dimension_numbers<[1], [0], [0], [1], [0, 0, 1, 1], [], []>, transpose_lhs_hint = false} : vector<64x1xf32>, vector<1x64xf32>, vector<64x64xf32> -> vector<64x64xf32>
    %slice3A_171 = vector.extract_strided_slice %dot_general3A_170 {offsets = [0, 0], sizes = [57, 57], strides = [1, 1]} : vector<64x64xf32> to vector<57x57xf32>
    %broadcast_in_dim3A_172 = vector.shape_cast %slice3A_171 : vector<57x57xf32> to vector<1x57x57xf32>
    %broadcast_in_dim3A_173 = vector.shape_cast %broadcast_in_dim3A_172 : vector<1x57x57xf32> to vector<1x57x57xf32>
    %broadcast_in_dim3A_174 = vector.broadcast %broadcast_in_dim3A_173 : vector<1x57x57xf32> to vector<8x57x57xf32>
    %swap3A_175 = arith.constant 0 : index
    %swap3A_176 = arith.constant 1 : index
    %swap3A_177 = arith.constant 0 : index
    %swap3A_178 = arith.constant 0 : index
    %swap3A_179 = arith.constant 0 : index
    %swap3A_180 = vector.load %arg7[%swap3A_175, %swap3A_176, %swap3A_177, %swap3A_178, %swap3A_179] : memref<1x8x8x57x57xf32, #tpu.memory_space<vmem>>, vector<1x1x8x57x57xf32>
    %swap3A_181 = vector.shape_cast %swap3A_180 : vector<1x1x8x57x57xf32> to vector<8x57x57xf32>
    %swap3A_182 = vector.shape_cast %broadcast_in_dim3A_174 : vector<8x57x57xf32> to vector<1x1x8x57x57xf32>
    tpu.vector_store %arg7[%swap3A_175, %swap3A_176, %swap3A_177, %swap3A_178, %swap3A_179], %swap3A_182 {strides = array<i32>} : memref<1x8x8x57x57xf32, #tpu.memory_space<vmem>>, vector<1x1x8x57x57xf32>,
    %slice3A_183 = vector.extract_strided_slice %get3A_4 {offsets = [0, 2], sizes = [64, 1], strides = [1, 1]} : vector<64x8xf32> to vector<64x1xf32>
    %dot_general3A_184 = arith.constant dense<0.000000e+00> : vector<64x64xf32>
    %dot_general3A_185 = tpu.matmul %slice3A_183, %broadcast_in_dim3A_5, %dot_general3A_184 {dimension_numbers = #tpu.dot_dimension_numbers<[1], [0], [0], [1], [0, 0, 1, 1], [], []>, transpose_lhs_hint = false} : vector<64x1xf32>, vector<1x64xf32>, vector<64x64xf32> -> vector<64x64xf32>
    %slice3A_186 = vector.extract_strided_slice %dot_general3A_185 {offsets = [0, 0], sizes = [57, 57], strides = [1, 1]} : vector<64x64xf32> to vector<57x57xf32>
    %broadcast_in_dim3A_187 = vector.shape_cast %slice3A_186 : vector<57x57xf32> to vector<1x57x57xf32>
    %broadcast_in_dim3A_188 = vector.shape_cast %broadcast_in_dim3A_187 : vector<1x57x57xf32> to vector<1x57x57xf32>
    %broadcast_in_dim3A_189 = vector.broadcast %broadcast_in_dim3A_188 : vector<1x57x57xf32> to vector<8x57x57xf32>
    %swap3A_190 = arith.constant 0 : index
    %swap3A_191 = arith.constant 2 : index
    %swap3A_192 = arith.constant 0 : index
    %swap3A_193 = arith.constant 0 : index
    %swap3A_194 = arith.constant 0 : index
    %swap3A_195 = vector.load %arg7[%swap3A_190, %swap3A_191, %swap3A_192, %swap3A_193, %swap3A_194] : memref<1x8x8x57x57xf32, #tpu.memory_space<vmem>>, vector<1x1x8x57x57xf32>
    %swap3A_196 = vector.shape_cast %swap3A_195 : vector<1x1x8x57x57xf32> to vector<8x57x57xf32>
    %swap3A_197 = vector.shape_cast %broadcast_in_dim3A_189 : vector<8x57x57xf32> to vector<1x1x8x57x57xf32>
    tpu.vector_store %arg7[%swap3A_190, %swap3A_191, %swap3A_192, %swap3A_193, %swap3A_194], %swap3A_197 {strides = array<i32>} : memref<1x8x8x57x57xf32, #tpu.memory_space<vmem>>, vector<1x1x8x57x57xf32>,
    %slice3A_198 = vector.extract_strided_slice %get3A_4 {offsets = [0, 3], sizes = [64, 1], strides = [1, 1]} : vector<64x8xf32> to vector<64x1xf32>
    %dot_general3A_199 = arith.constant dense<0.000000e+00> : vector<64x64xf32>
    %dot_general3A_200 = tpu.matmul %slice3A_198, %broadcast_in_dim3A_5, %dot_general3A_199 {dimension_numbers = #tpu.dot_dimension_numbers<[1], [0], [0], [1], [0, 0, 1, 1], [], []>, transpose_lhs_hint = false} : vector<64x1xf32>, vector<1x64xf32>, vector<64x64xf32> -> vector<64x64xf32>
    %slice3A_201 = vector.extract_strided_slice %dot_general3A_200 {offsets = [0, 0], sizes = [57, 57], strides = [1, 1]} : vector<64x64xf32> to vector<57x57xf32>
    %broadcast_in_dim3A_202 = vector.shape_cast %slice3A_201 : vector<57x57xf32> to vector<1x57x57xf32>
    %broadcast_in_dim3A_203 = vector.shape_cast %broadcast_in_dim3A_202 : vector<1x57x57xf32> to vector<1x57x57xf32>
    %broadcast_in_dim3A_204 = vector.broadcast %broadcast_in_dim3A_203 : vector<1x57x57xf32> to vector<8x57x57xf32>
    %swap3A_205 = arith.constant 0 : index
    %swap3A_206 = arith.constant 3 : index
    %swap3A_207 = arith.constant 0 : index
    %swap3A_208 = arith.constant 0 : index
    %swap3A_209 = arith.constant 0 : index
    %swap3A_210 = vector.load %arg7[%swap3A_205, %swap3A_206, %swap3A_207, %swap3A_208, %swap3A_209] : memref<1x8x8x57x57xf32, #tpu.memory_space<vmem>>, vector<1x1x8x57x57xf32>
    %swap3A_211 = vector.shape_cast %swap3A_210 : vector<1x1x8x57x57xf32> to vector<8x57x57xf32>
    %swap3A_212 = vector.shape_cast %broadcast_in_dim3A_204 : vector<8x57x57xf32> to vector<1x1x8x57x57xf32>
    tpu.vector_store %arg7[%swap3A_205, %swap3A_206, %swap3A_207, %swap3A_208, %swap3A_209], %swap3A_212 {strides = array<i32>} : memref<1x8x8x57x57xf32, #tpu.memory_space<vmem>>, vector<1x1x8x57x57xf32>,
    %slice3A_213 = vector.extract_strided_slice %get3A_4 {offsets = [0, 4], sizes = [64, 1], strides = [1, 1]} : vector<64x8xf32> to vector<64x1xf32>
    %dot_general3A_214 = arith.constant dense<0.000000e+00> : vector<64x64xf32>
    %dot_general3A_215 = tpu.matmul %slice3A_213, %broadcast_in_dim3A_5, %dot_general3A_214 {dimension_numbers = #tpu.dot_dimension_numbers<[1], [0], [0], [1], [0, 0, 1, 1], [], []>, transpose_lhs_hint = false} : vector<64x1xf32>, vector<1x64xf32>, vector<64x64xf32> -> vector<64x64xf32>
    %slice3A_216 = vector.extract_strided_slice %dot_general3A_215 {offsets = [0, 0], sizes = [57, 57], strides = [1, 1]} : vector<64x64xf32> to vector<57x57xf32>
    %broadcast_in_dim3A_217 = vector.shape_cast %slice3A_216 : vector<57x57xf32> to vector<1x57x57xf32>
    %broadcast_in_dim3A_218 = vector.shape_cast %broadcast_in_dim3A_217 : vector<1x57x57xf32> to vector<1x57x57xf32>
    %broadcast_in_dim3A_219 = vector.broadcast %broadcast_in_dim3A_218 : vector<1x57x57xf32> to vector<8x57x57xf32>
    %swap3A_220 = arith.constant 0 : index
    %swap3A_221 = arith.constant 4 : index
    %swap3A_222 = arith.constant 0 : index
    %swap3A_223 = arith.constant 0 : index
    %swap3A_224 = arith.constant 0 : index
    %swap3A_225 = vector.load %arg7[%swap3A_220, %swap3A_221, %swap3A_222, %swap3A_223, %swap3A_224] : memref<1x8x8x57x57xf32, #tpu.memory_space<vmem>>, vector<1x1x8x57x57xf32>
    %swap3A_226 = vector.shape_cast %swap3A_225 : vector<1x1x8x57x57xf32> to vector<8x57x57xf32>
    %swap3A_227 = vector.shape_cast %broadcast_in_dim3A_219 : vector<8x57x57xf32> to vector<1x1x8x57x57xf32>
    tpu.vector_store %arg7[%swap3A_220, %swap3A_221, %swap3A_222, %swap3A_223, %swap3A_224], %swap3A_227 {strides = array<i32>} : memref<1x8x8x57x57xf32, #tpu.memory_space<vmem>>, vector<1x1x8x57x57xf32>,
    %slice3A_228 = vector.extract_strided_slice %get3A_4 {offsets = [0, 5], sizes = [64, 1], strides = [1, 1]} : vector<64x8xf32> to vector<64x1xf32>
    %dot_general3A_229 = arith.constant dense<0.000000e+00> : vector<64x64xf32>
    %dot_general3A_230 = tpu.matmul %slice3A_228, %broadcast_in_dim3A_5, %dot_general3A_229 {dimension_numbers = #tpu.dot_dimension_numbers<[1], [0], [0], [1], [0, 0, 1, 1], [], []>, transpose_lhs_hint = false} : vector<64x1xf32>, vector<1x64xf32>, vector<64x64xf32> -> vector<64x64xf32>
    %slice3A_231 = vector.extract_strided_slice %dot_general3A_230 {offsets = [0, 0], sizes = [57, 57], strides = [1, 1]} : vector<64x64xf32> to vector<57x57xf32>
    %broadcast_in_dim3A_232 = vector.shape_cast %slice3A_231 : vector<57x57xf32> to vector<1x57x57xf32>
    %broadcast_in_dim3A_233 = vector.shape_cast %broadcast_in_dim3A_232 : vector<1x57x57xf32> to vector<1x57x57xf32>
    %broadcast_in_dim3A_234 = vector.broadcast %broadcast_in_dim3A_233 : vector<1x57x57xf32> to vector<8x57x57xf32>
    %swap3A_235 = arith.constant 0 : index
    %swap3A_236 = arith.constant 5 : index
    %swap3A_237 = arith.constant 0 : index
    %swap3A_238 = arith.constant 0 : index
    %swap3A_239 = arith.constant 0 : index
    %swap3A_240 = vector.load %arg7[%swap3A_235, %swap3A_236, %swap3A_237, %swap3A_238, %swap3A_239] : memref<1x8x8x57x57xf32, #tpu.memory_space<vmem>>, vector<1x1x8x57x57xf32>
    %swap3A_241 = vector.shape_cast %swap3A_240 : vector<1x1x8x57x57xf32> to vector<8x57x57xf32>
    %swap3A_242 = vector.shape_cast %broadcast_in_dim3A_234 : vector<8x57x57xf32> to vector<1x1x8x57x57xf32>
    tpu.vector_store %arg7[%swap3A_235, %swap3A_236, %swap3A_237, %swap3A_238, %swap3A_239], %swap3A_242 {strides = array<i32>} : memref<1x8x8x57x57xf32, #tpu.memory_space<vmem>>, vector<1x1x8x57x57xf32>,
    %slice3A_243 = vector.extract_strided_slice %get3A_4 {offsets = [0, 6], sizes = [64, 1], strides = [1, 1]} : vector<64x8xf32> to vector<64x1xf32>
    %dot_general3A_244 = arith.constant dense<0.000000e+00> : vector<64x64xf32>
    %dot_general3A_245 = tpu.matmul %slice3A_243, %broadcast_in_dim3A_5, %dot_general3A_244 {dimension_numbers = #tpu.dot_dimension_numbers<[1], [0], [0], [1], [0, 0, 1, 1], [], []>, transpose_lhs_hint = false} : vector<64x1xf32>, vector<1x64xf32>, vector<64x64xf32> -> vector<64x64xf32>
    %slice3A_246 = vector.extract_strided_slice %dot_general3A_245 {offsets = [0, 0], sizes = [57, 57], strides = [1, 1]} : vector<64x64xf32> to vector<57x57xf32>
    %broadcast_in_dim3A_247 = vector.shape_cast %slice3A_246 : vector<57x57xf32> to vector<1x57x57xf32>
    %broadcast_in_dim3A_248 = vector.shape_cast %broadcast_in_dim3A_247 : vector<1x57x57xf32> to vector<1x57x57xf32>
    %broadcast_in_dim3A_249 = vector.broadcast %broadcast_in_dim3A_248 : vector<1x57x57xf32> to vector<8x57x57xf32>
    %swap3A_250 = arith.constant 0 : index
    %swap3A_251 = arith.constant 6 : index
    %swap3A_252 = arith.constant 0 : index
    %swap3A_253 = arith.constant 0 : index
    %swap3A_254 = arith.constant 0 : index
    %swap3A_255 = vector.load %arg7[%swap3A_250, %swap3A_251, %swap3A_252, %swap3A_253, %swap3A_254] : memref<1x8x8x57x57xf32, #tpu.memory_space<vmem>>, vector<1x1x8x57x57xf32>
    %swap3A_256 = vector.shape_cast %swap3A_255 : vector<1x1x8x57x57xf32> to vector<8x57x57xf32>
    %swap3A_257 = vector.shape_cast %broadcast_in_dim3A_249 : vector<8x57x57xf32> to vector<1x1x8x57x57xf32>
    tpu.vector_store %arg7[%swap3A_250, %swap3A_251, %swap3A_252, %swap3A_253, %swap3A_254], %swap3A_257 {strides = array<i32>} : memref<1x8x8x57x57xf32, #tpu.memory_space<vmem>>, vector<1x1x8x57x57xf32>,
    %slice3A_258 = vector.extract_strided_slice %get3A_4 {offsets = [0, 7], sizes = [64, 1], strides = [1, 1]} : vector<64x8xf32> to vector<64x1xf32>
    %dot_general3A_259 = arith.constant dense<0.000000e+00> : vector<64x64xf32>
    %dot_general3A_260 = tpu.matmul %slice3A_258, %broadcast_in_dim3A_5, %dot_general3A_259 {dimension_numbers = #tpu.dot_dimension_numbers<[1], [0], [0], [1], [0, 0, 1, 1], [], []>, transpose_lhs_hint = false} : vector<64x1xf32>, vector<1x64xf32>, vector<64x64xf32> -> vector<64x64xf32>
    %slice3A_261 = vector.extract_strided_slice %dot_general3A_260 {offsets = [0, 0], sizes = [57, 57], strides = [1, 1]} : vector<64x64xf32> to vector<57x57xf32>
    %broadcast_in_dim3A_262 = vector.shape_cast %slice3A_261 : vector<57x57xf32> to vector<1x57x57xf32>
    %broadcast_in_dim3A_263 = vector.shape_cast %broadcast_in_dim3A_262 : vector<1x57x57xf32> to vector<1x57x57xf32>
    %broadcast_in_dim3A_264 = vector.broadcast %broadcast_in_dim3A_263 : vector<1x57x57xf32> to vector<8x57x57xf32>
    %swap3A_265 = arith.constant 0 : index
    %swap3A_266 = arith.constant 7 : index
    %swap3A_267 = arith.constant 0 : index
    %swap3A_268 = arith.constant 0 : index
    %swap3A_269 = arith.constant 0 : index
    %swap3A_270 = vector.load %arg7[%swap3A_265, %swap3A_266, %swap3A_267, %swap3A_268, %swap3A_269] : memref<1x8x8x57x57xf32, #tpu.memory_space<vmem>>, vector<1x1x8x57x57xf32>
    %swap3A_271 = vector.shape_cast %swap3A_270 : vector<1x1x8x57x57xf32> to vector<8x57x57xf32>
    %swap3A_272 = vector.shape_cast %broadcast_in_dim3A_264 : vector<8x57x57xf32> to vector<1x1x8x57x57xf32>
    tpu.vector_store %arg7[%swap3A_265, %swap3A_266, %swap3A_267, %swap3A_268, %swap3A_269], %swap3A_272 {strides = array<i32>} : memref<1x8x8x57x57xf32, #tpu.memory_space<vmem>>, vector<1x1x8x57x57xf32>,
    %get3A_273 = arith.constant 0 : index
    %get3A_274 = arith.index_cast %add3A_68 : i32 to index
    %get3A_275 = arith.constant 0 : index
    %get3A_276 = arith.constant 0 : index
    %get3A_277 = vector.load %arg4[%get3A_273, %get3A_274, %get3A_275, %get3A_276] : memref<1x64x1x4xi32, #tpu.memory_space<vmem>>, vector<1x1x1x1xi32>
    %get3A_278 = vector.extract %get3A_277[0, 0, 0, 0] : i32 from vector<1x1x1x1xi32>
    %get3A_279 = arith.constant 0 : index
    %get3A_280 = arith.constant 0 : index
    %get3A_281 = arith.constant 0 : index
    %get3A_282 = arith.constant 0 : index
    %get3A_283 = arith.constant 0 : index
    %get3A_284 = vector.load %arg5[%get3A_279, %get3A_280, %get3A_281, %get3A_282, %get3A_283] : memref<1x1x4x64x64xf32, #tpu.memory_space<vmem>>, vector<1x1x1x64x64xf32>
    %get3A_285 = vector.shape_cast %get3A_284 : vector<1x1x1x64x64xf32> to vector<64x64xf32>
    %dot_general3A_286 = arith.constant dense<0.000000e+00> : vector<64x64xf32>
    %dot_general3A_287 = tpu.matmul %mul3A_149, %get3A_285, %dot_general3A_286 {dimension_numbers = #tpu.dot_dimension_numbers<[1], [0], [0], [1], [0, 0, 1, 1], [], []>, transpose_lhs_hint = false} : vector<64x64xf32>, vector<64x64xf32>, vector<64x64xf32> -> vector<64x64xf32>
    %dot_general3A_288 = arith.constant dense<0.000000e+00> : vector<64x64xf32>
    %dot_general3A_289 = tpu.matmul %dot_general3A_287, %mul3A_155, %dot_general3A_288 {dimension_numbers = #tpu.dot_dimension_numbers<[1], [1], [0], [0], [0, 0, 1, 0], [], []>, transpose_lhs_hint = false} : vector<64x64xf32>, vector<64x64xf32>, vector<64x64xf32> -> vector<64x64xf32>
    %eq3A_290 = vector.broadcast %get3A_278 : i32 to vector<64x64xi32>
    %eq3A_291 = arith.cmpi eq, %add3A, %eq3A_290 : vector<64x64xi32>
    %select_n3A_292 = arith.select %eq3A_291, %dot_general3A_289, %dot_general3A_156 : vector<64x64xi1>, vector<64x64xf32>
    %slice3A_293 = vector.extract_strided_slice %select_n3A_292 {offsets = [0, 0], sizes = [57, 57], strides = [1, 1]} : vector<64x64xf32> to vector<57x57xf32>
    %swap3A_294 = arith.constant 0 : index
    %swap3A_295 = arith.constant 0 : index
    %swap3A_296 = arith.constant 0 : index
    %swap3A_297 = arith.constant 0 : index
    %swap3A_298 = arith.constant 0 : index
    %swap3A_299 = vector.load %arg7[%swap3A_294, %swap3A_295, %swap3A_296, %swap3A_297, %swap3A_298] : memref<1x8x8x57x57xf32, #tpu.memory_space<vmem>>, vector<1x1x1x57x57xf32>
    %swap3A_300 = vector.shape_cast %swap3A_299 : vector<1x1x1x57x57xf32> to vector<57x57xf32>
    %swap3A_301 = vector.shape_cast %slice3A_293 : vector<57x57xf32> to vector<1x1x1x57x57xf32>
    tpu.vector_store %arg7[%swap3A_294, %swap3A_295, %swap3A_296, %swap3A_297, %swap3A_298], %swap3A_301 {strides = array<i32>} : memref<1x8x8x57x57xf32, #tpu.memory_space<vmem>>, vector<1x1x1x57x57xf32>,
    %get3A_302 = arith.constant 0 : index
    %get3A_303 = arith.index_cast %add3A_68 : i32 to index
    %get3A_304 = arith.constant 0 : index
    %get3A_305 = arith.constant 1 : index
    %get3A_306 = vector.load %arg4[%get3A_302, %get3A_303, %get3A_304, %get3A_305] : memref<1x64x1x4xi32, #tpu.memory_space<vmem>>, vector<1x1x1x1xi32>
    %get3A_307 = vector.extract %get3A_306[0, 0, 0, 0] : i32 from vector<1x1x1x1xi32>
    %get3A_308 = arith.constant 0 : index
    %get3A_309 = arith.constant 0 : index
    %get3A_310 = arith.constant 1 : index
    %get3A_311 = arith.constant 0 : index
    %get3A_312 = arith.constant 0 : index
    %get3A_313 = vector.load %arg5[%get3A_308, %get3A_309, %get3A_310, %get3A_311, %get3A_312] : memref<1x1x4x64x64xf32, #tpu.memory_space<vmem>>, vector<1x1x1x64x64xf32>
    %get3A_314 = vector.shape_cast %get3A_313 : vector<1x1x1x64x64xf32> to vector<64x64xf32>
    %dot_general3A_315 = arith.constant dense<0.000000e+00> : vector<64x64xf32>
    %dot_general3A_316 = tpu.matmul %mul3A_149, %get3A_314, %dot_general3A_315 {dimension_numbers = #tpu.dot_dimension_numbers<[1], [0], [0], [1], [0, 0, 1, 1], [], []>, transpose_lhs_hint = false} : vector<64x64xf32>, vector<64x64xf32>, vector<64x64xf32> -> vector<64x64xf32>
    %dot_general3A_317 = arith.constant dense<0.000000e+00> : vector<64x64xf32>
    %dot_general3A_318 = tpu.matmul %dot_general3A_316, %mul3A_155, %dot_general3A_317 {dimension_numbers = #tpu.dot_dimension_numbers<[1], [1], [0], [0], [0, 0, 1, 0], [], []>, transpose_lhs_hint = false} : vector<64x64xf32>, vector<64x64xf32>, vector<64x64xf32> -> vector<64x64xf32>
    %eq3A_319 = vector.broadcast %get3A_307 : i32 to vector<64x64xi32>
    %eq3A_320 = arith.cmpi eq, %add3A, %eq3A_319 : vector<64x64xi32>
    %select_n3A_321 = arith.select %eq3A_320, %dot_general3A_318, %dot_general3A_156 : vector<64x64xi1>, vector<64x64xf32>
    %slice3A_322 = vector.extract_strided_slice %select_n3A_321 {offsets = [0, 0], sizes = [57, 57], strides = [1, 1]} : vector<64x64xf32> to vector<57x57xf32>
    %swap3A_323 = arith.constant 0 : index
    %swap3A_324 = arith.constant 0 : index
    %swap3A_325 = arith.constant 1 : index
    %swap3A_326 = arith.constant 0 : index
    %swap3A_327 = arith.constant 0 : index
    %swap3A_328 = vector.load %arg7[%swap3A_323, %swap3A_324, %swap3A_325, %swap3A_326, %swap3A_327] : memref<1x8x8x57x57xf32, #tpu.memory_space<vmem>>, vector<1x1x1x57x57xf32>
    %swap3A_329 = vector.shape_cast %swap3A_328 : vector<1x1x1x57x57xf32> to vector<57x57xf32>
    %swap3A_330 = vector.shape_cast %slice3A_322 : vector<57x57xf32> to vector<1x1x1x57x57xf32>
    tpu.vector_store %arg7[%swap3A_323, %swap3A_324, %swap3A_325, %swap3A_326, %swap3A_327], %swap3A_330 {strides = array<i32>} : memref<1x8x8x57x57xf32, #tpu.memory_space<vmem>>, vector<1x1x1x57x57xf32>,
    %get3A_331 = arith.constant 0 : index
    %get3A_332 = arith.index_cast %add3A_68 : i32 to index
    %get3A_333 = arith.constant 0 : index
    %get3A_334 = arith.constant 2 : index
    %get3A_335 = vector.load %arg4[%get3A_331, %get3A_332, %get3A_333, %get3A_334] : memref<1x64x1x4xi32, #tpu.memory_space<vmem>>, vector<1x1x1x1xi32>
    %get3A_336 = vector.extract %get3A_335[0, 0, 0, 0] : i32 from vector<1x1x1x1xi32>
    %get3A_337 = arith.constant 0 : index
    %get3A_338 = arith.constant 0 : index
    %get3A_339 = arith.constant 2 : index
    %get3A_340 = arith.constant 0 : index
    %get3A_341 = arith.constant 0 : index
    %get3A_342 = vector.load %arg5[%get3A_337, %get3A_338, %get3A_339, %get3A_340, %get3A_341] : memref<1x1x4x64x64xf32, #tpu.memory_space<vmem>>, vector<1x1x1x64x64xf32>
    %get3A_343 = vector.shape_cast %get3A_342 : vector<1x1x1x64x64xf32> to vector<64x64xf32>
    %dot_general3A_344 = arith.constant dense<0.000000e+00> : vector<64x64xf32>
    %dot_general3A_345 = tpu.matmul %mul3A_149, %get3A_343, %dot_general3A_344 {dimension_numbers = #tpu.dot_dimension_numbers<[1], [0], [0], [1], [0, 0, 1, 1], [], []>, transpose_lhs_hint = false} : vector<64x64xf32>, vector<64x64xf32>, vector<64x64xf32> -> vector<64x64xf32>
    %dot_general3A_346 = arith.constant dense<0.000000e+00> : vector<64x64xf32>
    %dot_general3A_347 = tpu.matmul %dot_general3A_345, %mul3A_155, %dot_general3A_346 {dimension_numbers = #tpu.dot_dimension_numbers<[1], [1], [0], [0], [0, 0, 1, 0], [], []>, transpose_lhs_hint = false} : vector<64x64xf32>, vector<64x64xf32>, vector<64x64xf32> -> vector<64x64xf32>
    %eq3A_348 = vector.broadcast %get3A_336 : i32 to vector<64x64xi32>
    %eq3A_349 = arith.cmpi eq, %add3A, %eq3A_348 : vector<64x64xi32>
    %select_n3A_350 = arith.select %eq3A_349, %dot_general3A_347, %dot_general3A_156 : vector<64x64xi1>, vector<64x64xf32>
    %slice3A_351 = vector.extract_strided_slice %select_n3A_350 {offsets = [0, 0], sizes = [57, 57], strides = [1, 1]} : vector<64x64xf32> to vector<57x57xf32>
    %swap3A_352 = arith.constant 0 : index
    %swap3A_353 = arith.constant 0 : index
    %swap3A_354 = arith.constant 2 : index
    %swap3A_355 = arith.constant 0 : index
    %swap3A_356 = arith.constant 0 : index
    %swap3A_357 = vector.load %arg7[%swap3A_352, %swap3A_353, %swap3A_354, %swap3A_355, %swap3A_356] : memref<1x8x8x57x57xf32, #tpu.memory_space<vmem>>, vector<1x1x1x57x57xf32>
    %swap3A_358 = vector.shape_cast %swap3A_357 : vector<1x1x1x57x57xf32> to vector<57x57xf32>
    %swap3A_359 = vector.shape_cast %slice3A_351 : vector<57x57xf32> to vector<1x1x1x57x57xf32>
    tpu.vector_store %arg7[%swap3A_352, %swap3A_353, %swap3A_354, %swap3A_355, %swap3A_356], %swap3A_359 {strides = array<i32>} : memref<1x8x8x57x57xf32, #tpu.memory_space<vmem>>, vector<1x1x1x57x57xf32>,
    %get3A_360 = arith.constant 0 : index
    %get3A_361 = arith.index_cast %add3A_68 : i32 to index
    %get3A_362 = arith.constant 0 : index
    %get3A_363 = arith.constant 3 : index
    %get3A_364 = vector.load %arg4[%get3A_360, %get3A_361, %get3A_362, %get3A_363] : memref<1x64x1x4xi32, #tpu.memory_space<vmem>>, vector<1x1x1x1xi32>
    %get3A_365 = vector.extract %get3A_364[0, 0, 0, 0] : i32 from vector<1x1x1x1xi32>
    %get3A_366 = arith.constant 0 : index
    %get3A_367 = arith.constant 0 : index
    %get3A_368 = arith.constant 3 : index
    %get3A_369 = arith.constant 0 : index
    %get3A_370 = arith.constant 0 : index
    %get3A_371 = vector.load %arg5[%get3A_366, %get3A_367, %get3A_368, %get3A_369, %get3A_370] : memref<1x1x4x64x64xf32, #tpu.memory_space<vmem>>, vector<1x1x1x64x64xf32>
    %get3A_372 = vector.shape_cast %get3A_371 : vector<1x1x1x64x64xf32> to vector<64x64xf32>
    %dot_general3A_373 = arith.constant dense<0.000000e+00> : vector<64x64xf32>
    %dot_general3A_374 = tpu.matmul %mul3A_149, %get3A_372, %dot_general3A_373 {dimension_numbers = #tpu.dot_dimension_numbers<[1], [0], [0], [1], [0, 0, 1, 1], [], []>, transpose_lhs_hint = false} : vector<64x64xf32>, vector<64x64xf32>, vector<64x64xf32> -> vector<64x64xf32>
    %dot_general3A_375 = arith.constant dense<0.000000e+00> : vector<64x64xf32>
    %dot_general3A_376 = tpu.matmul %dot_general3A_374, %mul3A_155, %dot_general3A_375 {dimension_numbers = #tpu.dot_dimension_numbers<[1], [1], [0], [0], [0, 0, 1, 0], [], []>, transpose_lhs_hint = false} : vector<64x64xf32>, vector<64x64xf32>, vector<64x64xf32> -> vector<64x64xf32>
    %eq3A_377 = vector.broadcast %get3A_365 : i32 to vector<64x64xi32>
    %eq3A_378 = arith.cmpi eq, %add3A, %eq3A_377 : vector<64x64xi32>
    %select_n3A_379 = arith.select %eq3A_378, %dot_general3A_376, %dot_general3A_156 : vector<64x64xi1>, vector<64x64xf32>
    %slice3A_380 = vector.extract_strided_slice %select_n3A_379 {offsets = [0, 0], sizes = [57, 57], strides = [1, 1]} : vector<64x64xf32> to vector<57x57xf32>
    %swap3A_381 = arith.constant 0 : index
    %swap3A_382 = arith.constant 0 : index
    %swap3A_383 = arith.constant 3 : index
    %swap3A_384 = arith.constant 0 : index
    %swap3A_385 = arith.constant 0 : index
    %swap3A_386 = vector.load %arg7[%swap3A_381, %swap3A_382, %swap3A_383, %swap3A_384, %swap3A_385] : memref<1x8x8x57x57xf32, #tpu.memory_space<vmem>>, vector<1x1x1x57x57xf32>
    %swap3A_387 = vector.shape_cast %swap3A_386 : vector<1x1x1x57x57xf32> to vector<57x57xf32>
    %swap3A_388 = vector.shape_cast %slice3A_380 : vector<57x57xf32> to vector<1x1x1x57x57xf32>
    tpu.vector_store %arg7[%swap3A_381, %swap3A_382, %swap3A_383, %swap3A_384, %swap3A_385], %swap3A_388 {strides = array<i32>} : memref<1x8x8x57x57xf32, #tpu.memory_space<vmem>>, vector<1x1x1x57x57xf32>,
    return
  }
  func.func @transform_0(%arg0: i32, %arg1: i32, %arg2: i32) -> (i32, i32, i32, i32) {
    %c0_i32 = arith.constant 0 : i32
    %c0_i32_0 = arith.constant 0 : i32
    %c0_i32_1 = arith.constant 0 : i32
    return %arg0, %arg1, %c0_i32, %c0_i32_0 : i32, i32, i32, i32
  }
  func.func @transform_1(%arg0: i32, %arg1: i32, %arg2: i32) -> (i32, i32, i32, i32) {
    %c0_i32 = arith.constant 0 : i32
    %c0_i32_0 = arith.constant 0 : i32
    %c0_i32_1 = arith.constant 0 : i32
    %c0_i32_2 = arith.constant 0 : i32
    return %arg0, %c0_i32, %c0_i32_0, %c0_i32_1 : i32, i32, i32, i32
  }
  func.func @transform_2(%arg0: i32, %arg1: i32, %arg2: i32) -> (i32, i32, i32, i32, i32) {
    %c0_i32 = arith.constant 0 : i32
    %c0_i32_0 = arith.constant 0 : i32
    %c0_i32_1 = arith.constant 0 : i32
    return %arg0, %arg1, %arg2, %c0_i32, %c0_i32_0 : i32, i32, i32, i32, i32
  }
  func.func @transform_3(%arg0: i32, %arg1: i32, %arg2: i32) -> (i32, i32) {
    %c0_i32 = arith.constant 0 : i32
    %c0_i32_0 = arith.constant 0 : i32
    %c0_i32_1 = arith.constant 0 : i32
    return %c0_i32, %c0_i32_0 : i32, i32
  }
  func.func @transform_4(%arg0: i32, %arg1: i32, %arg2: i32) -> (i32, i32, i32, i32, i32) {
    %c0_i32 = arith.constant 0 : i32
    %c0_i32_0 = arith.constant 0 : i32
    %c0_i32_1 = arith.constant 0 : i32
    return %arg0, %arg1, %arg2, %c0_i32, %c0_i32_0 : i32, i32, i32, i32, i32
  }
}

</mosaic_0001>

<sc_bundles>
// kernel: sparse-core-data-format-call.cloned.1.call-start
scs
called_computation_lowered:
.L_overlay_start_0:
0x0: {  	s2 =	sld [smem:$0x3FD9]  }
0x1: {  	s3 =	sld [smem:$0x3FFE];
	_ =	sdelay $0x1  }
0x2: {  	s1 =	srdreg.scid  }
0x3: {  	s0 =	sand.u32 $0x1, s1  }
0x4: {  	s18 =	sshll.u32 s0, $0xA;
	s2 =	sadd.s32 s3, s2  }
0x5: {  	s2 =	sadd.s32 s2, s18  }
0x6: {  	[smem:$0x3FC2] =	sst s2  }
0x7: {  	_ = 	snop  }
0x8: {  	s2 =	sld [smem:$0x3FD0];
	(tm) =	ssettm $0x1  }
0x9: {  	s19 =	sld [smem:$0x3FFB];
	_ =	sdelay $0x3  }
0xa: {  	_ =	strace s19  }
0xb: {  	s3 =	sld [smem:$0x3FFC];
	_ =	sdelay $0x3  }
0xc: {  	_ =	strace s3  }
0xd: {  	s3 =	sld [smem:$0x3FFD];
	_ =	sdelay $0x3  }
0xe: {  	_ =	strace s3  }
0xf: {  	_ =	strace $0x8FFFFFFF  }
0x10: {  	s20 =	sld [smem:$0x3FDB];
	_ =	sdelay $0x1  }
0x11: {  	s4 =	simm.s32 $_scs_section_size  }
0x12: {  	s5 =	simm.s32 $_size__tile_overlayer_lowered;
	s6 =	simm.s32 $_tile_overlayer_lowered  }
0x13: {  	s23 =	simm.s32 $0x1BFF;
	s22 =	sshll.u32 s6, $0x1;
	s3 =	sadd.s32 s4, s20  }
0x14: {  	s7 =	simm.s32 $0x0;
	s21 =	sshll.u32 s5, $0x1;
	s5 =	sadd.s32 s22, s3  }
0x15: {  	[timem:s7], [sflag:s23] =	dma.local [hbm:s5], s21  }
0x16: {  	_ =	swait.ge [sflag:s23], s21  }
0x17: {  	s4 =	ssub.s32 $0x0, s21;
	[sflag:s23] =	ssyncset.done $0x0  }
0x18: {  	[sflag:s23] =	ssyncadd.s32 s4;
	_ =	sdelay $0x1  }
0x19: {  	s24 =	simm.s32 $0x1B8B  }
0x1a: {  	_ =	swait.ge [sflag:s24], $0x1  }
0x1b: {  	[sflag:s24] =	ssyncset.done $0x0  }
0x1c: {  	s26 =	simm.s32 $0x1B8E;
	s25 =	sld [smem:$0x3FFE];
	[sflag:s24] =	ssyncadd.s32 $0xFFFFFFFF  }
0x1d: {  	s27 =	simm.s32 $execute0_lowered;
	[smem:$0x3FD2] =	sst s26  }
0x1e: {  	s5 =	sshll.u32 s27, $0x1;
	_ =	strace $0x80000046;
	[dreg:$0x1] =	wrdreg $0xFFFFFFFF  }
0x1f: {  	s28 =	simm.s32 $_size_execute0_lowered;
	s3 =	sadd.s32 s3, s5;
	[dreg:$0x0] =	wrdreg $0x0  }
0x20: {  	s5 =	sshll.u32 s28, $0x1;
	[dreg:$0x2] =	wrdreg s3  }
0x21: {  	[dreg:$0x3] =	wrdreg s5  }
0x22: {  	[dreg:$0x4] =	wrdreg $0xC0  }
0x23: {  	_ =	task [dreg:s7], $0x5FFFF  }
0x24: {  	[dreg:$0x1] =	wrdreg $0xFFFFFFFF  }
0x25: {  	[dreg:$0x0] =	wrdreg $0x60  }
0x26: {  	[dreg:$0x2] =	wrdreg s25  }
0x27: {  	[dreg:$0x3] =	wrdreg s2  }
0x28: {  	[dreg:$0x4] =	wrdreg $0x9  }
0x29: {  	_ =	task.clear_ibuf [dreg:s7], $0x5FFFF;
	_ =	strace $0x90000046  }
0x2a: {  	s29 =	simm.s32 $0x9;
	_ =	strace $0x80000048  }
0x2b: {  	_ =	swait.ge [sflag:s29], $0x1  }
0x2c: {  	[sflag:s29] =	ssyncadd.s32 $0xFFFFFFFF  }
0x2d: {  	_ =	strace $0x90000048  }
0x2e: {  	_ =	sfence  }
0x2f: {  	s30 =	sld [smem:$0x0];
	_ =	sdelay $0x2  }
0x30: {  	s31 =	sshll.u32 s1, $0xD;
	s1 =	sshrl.u32 s1, $0x2  }
0x31: {  	s3 =	sand.u32 $0x4000, s31;
	s1 =	sadd.s32 s1, s30  }
0x32: {  	s0 =	sor.u32 s3, s0;
	s1 =	sshll.u32 s1, $0x11  }
0x33: {  	s0 =	sor.u32 s1, s0  }
0x34: {  	s0 =	sadd.s32 $0x8F2B, s0  }
0x35: {  	[sflag:s0] =	ssyncadd.remote.s32 $0x1  }
0x36: {  	_ =	sfence.sel $0xFFFF  }
0x37: {  	[dreg:$0x0] =	wrdreg $0xFFFFFFFF;
	(pc) =	sbr.abs _section_cstart, $3  }
0x38: {  	[dreg:$0x1] =	wrdreg $0xFFFFFFFF  }
0x39: {  	_ =	task.clear_ibuf [dreg:s7], $0x2FFFF;
	_ =	strace $0x9FFFFFFF  }
0x3a: {  	(tm) =	ssettm $0x7FFFFFFF  }
0x3b: {  	_ =	shalt  }
tec
execute0_lowered:
.L_overlay_start_1:
0x0: {  	(tag) =	ssettag $0x1  }
0x1: {  	s7 =	rddreg [dreg:$0x0]  }
0x2: {  	s0 =	srdreg.scid;
	s4 =	rddreg [dreg:$0x1]  }
0x3: {  	s8 =	simm.s32 $0x2;
	s18 =	simm.s32 $0x0;
	s1 =	sshll.u32 s0, $0x4  }
0x4: {  	p0 =	por $0x0, $0x0;
	s0 =	stileid.u32;
	s1 =	sand.u32 $0x10, s1  }
0x5: {  	s9 =	simm.s32 $0x40;
	s2 =	sand.u32 $0x1, s0;
	s1 =	sor.u32 s0, s1  }
0x6: {  	s10 =	simm.s32 $0x80;
	s31 =	ssub.s32 $0x2, s2;
	s3 =	sshrl.u32 s1, $0x1  }
0x7: {  	s5 =	sshrl.u32 s31, $0x1;
	s1 =	sand.u32 $0x1, s31;
	s6 =	ssub.s32 $0x48, s3  }
0x8: {  	s19 =	simm.s32 $0x0;
	s5 =	sadd.s32 s1, s5;
	s6 =	sshrl.u32 s6, $0x4  }
0x9: {  	s20 =	simm.s32 $0x0;
	s11 =	simm.s32 $0x0;
	s6 =	smul.u32 s6, s5  }
.Ltmp0:
0xa: {  	s12 =	simm.s32 $0x0;
	s13 =	simm.s32 $0x0;
	(pc) =	sbr.rel .LBB1_1-.Ltmp0, $4  }
0xb: {  	s14 =	simm.s32 $0x0;
	s17 =	simm.s32 $0x0;
	s1 =	rddreg [dreg:$0x2]  }
0xc: {  	_ =	strace $0x80000047;
	s5 =	simm.s32 $0x1;
	s6 =	smul.u32 $0x39, s6  }
0xd: {  	s7 =	sadd.s32 $0x1400, s7;
	s16 =	smov.u32 s2;
	[sflag:s5] =	ssyncpa.u1 $0x0  }
0xe: {  	s15 =	smov.u32 s3;
	[sflag:s8] =	ssyncpa.u1 $0x0;
	s8 =	sadd.s32 $0x1, s6  }
.LBB1_4:
0xf: {  	p1 =	sgt.s32 s13, $0x1;
	s23 =	smov.u32 s13;
	s24 =	sshra.s32 s13, $0x1F  }
0x10: {  	s25 =	smov.u32 s12;
	s26 =	sshra.s32 s12, $0x1F;
	p2 =	sgt.s32 s11, $0x38  }
0x11: {  	s27 =	sshra.s32 s11, $0x1F;
	s28 =	smul.u32 $0xCB10, s12;
	s23 =	simm.s32 @!p1 $0x1  }
0x12: {  	s24 =	sand.u32 s24, s13;
	p1 =	sgt.s32 s12, $0x38;
	s30 =	sand.u32 s26, s12  }
0x13: {  	s26 =	smov.u32 s11;
	s27 =	sand.u32 s27, s11;
	s24 =	sxor.u32 $0xFFFFFFFF, s24  }
0x14: {  	s25 =	simm.s32 @!p1 $0x38;
	s26 =	simm.s32 @!p2 $0x38;
	s23 =	sadd.s32 s24, s23  }
0x15: {  	s24 =	ssub.s32 s25, s30;
	p1 =	sgt.s32 s23, $0x0;
	s23 =	ssub.s32 $0x1, s23  }
0x16: {  	s31 =	ssub.s32 s26, s27;
	s25 =	sadd.s32 $0xFFFFFFC8, s24;
	s23 =	smul.u32 $0xE40, s23  }
0x17: {  	s27 =	smul.u32 $0x2D3690, s13;
	s24 =	ssub.s32 $0x39, s24;
	p2 =	sgt.s32 s25, $0x0  }
0x18: {  	s26 =	sadd.s32 $0xFFFFFFC8, s31;
	s24 =	simm.s32 @p2 $0x0;
	s23 =	simm.s32 @p1 $0x0  }
0x19: {  	s25 =	ssub.s32 $0x39, s31;
	p1 =	sgt.s32 s26, $0x0;
	s23 =	smul.u32 s24, s23  }
0x1a: {  	[tilespmem:v0+s21+$0x10 ss:$0x1] =	vst.idx.msk $0xffff, v2;
	s29 =	smul.u32 $0x390, s11;
	s25 =	simm.s32 @p1 $0x0  }
0x1b: {  	[tilespmem:v0+s21+$0xFFFFFFE0 ss:$0x1] =	vst.idx.msk $0xffff, v3;
	s24 =	sadd.s32 s4, s27;
	s23 =	smul.u32 s25, s23  }
0x1c: {  	[tilespmem:v0+s21+$0xFFFFFFF0 ss:$0x1] =	vst.idx.msk $0xffff, v1;
	s24 =	sadd.s32 s28, s24  }
0x1d: {  	[tilespmem:v0+s21+$0x0 ss:$0x1] =	vst.idx.msk $0xffff, v4;
	s31 =	sadd.s32 s29, s24;
	s30 =	sand.u32 $0x3FFFFFC0, s23  }
0x1e: {  	[hbm4b:s31+s9] =	stream.strided.scatter [tilespmem:s22], [sflag:$0x2], s30, s10, s9, $0x38;
	[tilespmem:$0x4000] =	vst v63  }
.LBB1_5:
0x1f: {  	p1 =	slt.u32 s17, $0x2;
	s22 =	smov.u32 s20  }
0x20: {  	p2 =	sgt.s32 @!p1 s20, $0x1;
	s21 =	sshra.s32 @!p1 s20, $0x1F;
	s23 =	sshra.s32 @!p1 s18, $0x1F  }
0x21: {  	p2 =	por !p2, p1;
	s20 =	sand.u32 @!p1 s21, s20;
	s21 =	smov.u32 s19  }
0x22: {  	s22 =	simm.s32 @p2 $0x1;
	s20 =	sxor.u32 @!p1 $0xFFFFFFFF, s20;
	p2 =	sgt.s32 @!p1 s19, $0x38  }
0x23: {  	s20 =	sadd.s32 @!p1 s20, s22;
	p3 =	por !p2, p1;
	s22 =	sshra.s32 @!p1 s19, $0x1F  }
0x24: {  	p2 =	sgt.s32 @!p1 s20, $0x0;
	s21 =	simm.s32 @p3 $0x38;
	s19 =	sand.u32 @!p1 s22, s19  }
0x25: {  	s20 =	ssub.s32 @!p1 $0x1, s20;
	p3 =	sgt.s32 @!p1 s18, $0x38;
	s22 =	smov.u32 s18  }
0x26: {  	s18 =	sand.u32 @!p1 s23, s18;
	s19 =	ssub.s32 @!p1 s21, s19;
	p3 =	por !p3, p1  }
0x27: {  	s20 =	smul.u32 @!p1 $0xE40, s20;
	s21 =	sadd.s32 @!p1 $0xFFFFFFC8, s19;
	s22 =	simm.s32 @p3 $0x38  }
0x28: {  	p2 =	por !p2, p1;
	p3 =	sgt.s32 @!p1 s21, $0x0;
	s18 =	ssub.s32 @!p1 s22, s18  }
0x29: {  	s19 =	ssub.s32 @!p1 $0x39, s19;
	p3 =	por !p3, p1;
	s21 =	sadd.s32 @!p1 $0xFFFFFFC8, s18  }
0x2a: {  	s20 =	simm.s32 @!p2 $0x0;
	s19 =	simm.s32 @!p3 $0x0;
	p3 =	sgt.s32 @!p1 s21, $0x0  }
0x2b: {  	s18 =	ssub.s32 @!p1 $0x39, s18;
	p2 =	por !p3, p1;
	s19 =	smul.u32 @!p1 s19, s20  }
0x2c: {  	s22 =	smov.u32 s15;
	s21 =	sadd.s32 $0x1, s14;
	s18 =	simm.s32 @!p2 $0x0  }
0x2d: {  	p2 =	sgt.s32 s21, $0x38;
	s18 =	smul.u32 @!p1 s18, s19;
	s19 =	sadd.s32 $0x10, s15  }
0x2e: {  	s22 =	smov.u32 @p2 s19  }
0x2f: {  	s24 =	smov.u32 s16;
	s19 =	sadd.s32 $0x2, s16;
	p3 =	sgt.s32 s22, $0x38  }
0x30: {  	p0 =	por !p0, !p0;
	s23 =	simm.s32 @!p1 $0x2;
	s24 =	smov.u32 @p3 s19  }
0x31: {  	s20 =	smov.u32 s13;
	s21 =	simm.s32 @p2 $0x0;
	p2 =	sgt.s32 s24, $0x1  }
0x32: {  	s18 =	sand.u32 @!p1 $0x3FFFFFC0, s18;
	s24 =	smov.u32 @p2 s2;
	p2 =	sne.s32 s17, s8  }
.Ltmp1:
0x33: {  	s13 =	smov.u32 s16;
	_ =	swait.ge @!p1 [sflag:s23], s18;
	(pc) =	sbr.rel @!p2 .LBB1_6-.Ltmp1, $4  }
0x34: {  	s25 =	ssub.s32 @!p1 $0x0, s18;
	s22 =	smov.u32 @p3 s3;
	s18 =	smov.u32 s11  }
0x35: {  	s19 =	smov.u32 s12;
	s11 =	smov.u32 s14;
	s12 =	smov.u32 s15  }
0x36: {  	s14 =	smov.u32 s21;
	[sflag:s23] =	ssyncset.done @!p1 $0x0;
	s15 =	smov.u32 s22  }
0x37: {  	s17 =	sadd.s32 $0x1, s17;
	[sflag:s23] =	ssyncadd.s32 @!p1 s25;
	s16 =	smov.u32 s24  }
.LBB1_1:
0x38: {  	p1 =	sge.u32 s17, s6  }
0x39: {  	s21 =	smul.u32 @!p1 $0x32C400, s16  }
0x3a: {  	s22 =	sxor.u32 @!p1 $0xFFFFFFFF, s17;
	s23 =	smul.u32 @!p1 $0xE400, s15  }
0x3b: {  	s31 =	sadd.s32 $0xFFFFFFFF, s17;
	s22 =	sshll.u32 @!p1 s22, $0xC;
	s21 =	sadd.s32 @!p1 s7, s21  }
0x3c: {  	s24 =	sshll.u32 @!p1 s14, $0xA;
	s22 =	sand.u32 @!p1 $0x1000, s22;
	s21 =	sadd.s32 @!p1 s23, s21  }
0x3d: {  	s23 =	simm.s32 @!p1 $0x40;
	s21 =	sadd.s32 @!p1 s24, s21;
	s24 =	simm.s32 @!p1 $0x80  }
0x3e: {  	[tilespmem:s22], [sflag:$0x1] =	stream.strided.gather @!p1 [hbm4b:s21+s23], $0x1000, s24, s23, $0x38;
	[tilespmem:$0x4000] =	vst v63  }
0x3f: {  	p1 =	sge.u32 s31, s6  }
.Ltmp2:
0x40: {  	_ = 	snop;
	(pc) =	sbr.rel @p1 .LBB1_5-.Ltmp2, $1  }
0x41: {  	_ =	sdelay $0x3  }
0x42: {  	s21 =	simm.s32 $0x1  }
0x43: {  	s21 =	simm.s32 @!p0 $0x0  }
0x44: {  	s22 =	sshll.u32 s21, $0xC  }
0x45: {  	v5 =	vmov s22;
	_ =	sdelay $0x1  }
0x46: {  	_ =	swait.ge [sflag:s5], $0x1000  }
0x47: {  	[sflag:s5] =	ssyncset.done $0x0  }
0x48: {  	[sflag:s5] =	ssyncadd.s32 $0xFFFFF000;
	s21 =	simm.s32 $0x0  }
0x49: {  	s24 =	sor.u32 $0x2020, s22;
	v2 =	vld.idx.msk [tilespmem:v5+s21+$0x30 ss:$0x1], $0xffff  }
0x4a: {  	s23 =	sshll.u32 s17, $0xC;
	v0 =	vmov s24;
	v3 =	vld.idx.msk [tilespmem:v5+s21+$0x0 ss:$0x1], $0xffff  }
0x4b: {  	s31 =	sand.u32 $0x1000, s23;
	v1 =	vld.idx.msk [tilespmem:v5+s21+$0x10 ss:$0x1], $0xffff  }
0x4c: {  	s23 =	simm.s32 $0x100;
	s22 =	sor.u32 $0x2000, s31;
	v4 =	vld.idx.msk [tilespmem:v5+s21+$0x20 ss:$0x1], $0xffff  }
.LBB1_3:
0x4d: {  	p1 =	sne.s32 s23, $0x3F00  }
.Ltmp3:
0x4e: {  	s24 =	sshra.s32 s23, $0x2;
	s23 =	sadd.s32 $0x100, s23;
	(pc) =	sbr.rel @p1 .LBB1_3-.Ltmp3, $4  }
0x4f: {  	[tilespmem:v0+s21+$0x10 ss:$0x1] =	vst.idx.msk $0xffff, v2;
	v2 =	vld.idx.msk [tilespmem:v5+s24+$0x30 ss:$0x1], $0xffff  }
0x50: {  	[tilespmem:v0+s21+$0xFFFFFFE0 ss:$0x1] =	vst.idx.msk $0xffff, v3;
	v3 =	vld.idx.msk [tilespmem:v5+s24+$0x0 ss:$0x1], $0xffff  }
0x51: {  	[tilespmem:v0+s21+$0xFFFFFFF0 ss:$0x1] =	vst.idx.msk $0xffff, v1;
	v1 =	vld.idx.msk [tilespmem:v5+s24+$0x10 ss:$0x1], $0xffff  }
0x52: {  	[tilespmem:v0+s21+$0x0 ss:$0x1] =	vst.idx.msk $0xffff, v4;
	v4 =	vld.idx.msk [tilespmem:v5+s24+$0x20 ss:$0x1], $0xffff;
	s21 =	smov.u32 s24  }
.Ltmp4:
0x53: {  	_ = 	snop;
	(pc) =	sbr.rel .LBB1_4-.Ltmp4, $1  }
0x54: {  	_ =	sdelay $0x3  }
.LBB1_6:
0x55: {  	_ =	sfence.sel $0x180000  }
0x56: {  	s2 =	simm.s32 $0x1;
	[bflag:$0x0] =	sbarrier.arrive $0xFFFF  }
0x57: {  	s31 =	simm.s32 $0x2;
	[sflag:s2] =	ssyncpa.u1 $0x1  }
0x58: {  	[sflag:s31] =	ssyncpa.u1 $0x1  }
0x59: {  	p0 =	sne.s32 s0, $0x0;
	_ =	strace $0x90000047  }
0x5a: {  	s0 =	sadd.s32 @!p0 $0x100000, s1;
	[bflag:$0x2] =	sbarrier.arrive $0xFFFF  }
0x5b: {  	[sflag:s0] =	ssyncadd.tile.s32 @!p0 $0x1;
	_ =	shalt  }
.Lfunc_end1:
_tile_overlayer_lowered:
.L_overlay_start_2:
0x5c: {  	(tag) =	ssettag $0x2  }
0x5d: {  	s0 =	rddreg [dreg:$0x0];
	s2 =	stileid.u32  }
0x5e: {  	s1 =	rddreg [dreg:$0x1];
	p0 =	sne.s32 s2, $0x0  }
0x5f: {  	s3 =	rddreg [dreg:$0x2];
	[bflag:$0x3] =	sbarrier.arrive $0xFFFF;
	s2 =	simm.s32 @!p0 $0x1C01  }
0x60: {  	[timem:s3], [sflag:s2] =	dma.local @!p0 [hbm:s0], s1  }
0x61: {  	s0 =	simm.s32 @!p0 $0x1  }
0x62: {  	_ =	swait.ge @!p0 [sflag:s0], s1  }
0x63: {  	s1 =	ssub.s32 @!p0 $0x0, s1;
	[sflag:s0] =	ssyncset.done @!p0 $0x0  }
0x64: {  	[sflag:s0] =	ssyncadd.s32 @!p0 s1  }
0x65: {  	[bflag:$0x3] =	sbarrier.arrive $0xFFFF  }
0x66: {  	_ =	shalt  }

</sc_bundles>
